<compile_context>
chip_gen: v7x
topology: tpu7x:2x2x1
jax: 0.10.2.dev20260603
libtpu: 0.0.44.dev20260713+nightly
codegen_flags: <defaults>
</compile_context>

<pallas_src>
import functools

import jax
import jax.numpy as jnp
from jax import lax
from jax.experimental import pallas as pl
from jax.experimental.pallas import tpu as pltpu
from jax.experimental.pallas import tpu_sc as plsc

N = 10000
E = 320000
D = 128

EROWS = E // 128
NC = 2
NS = 16
NW = NC * NS

EH_BASE = 156
EA_BASE = 78
HR = 313

_MESH = plsc.VectorSubcoreMesh(core_axis_name="c", subcore_axis_name="s",
                               num_cores=NC, num_subcores=NS)
_SC_PARAMS = pltpu.CompilerParams(use_tc_tiling_on_sc=False)


def _deg_scale_body(e3, h_in, hs_out, deg_sh, idxb, onesb, zb, hbuf, invb,
                    hsem, lsem):
    s = lax.axis_index("s")
    c = lax.axis_index("c")
    w = c * NS + s

    e_start = EH_BASE * s + jnp.maximum(s - 12, 0)
    e_cnt = EH_BASE + (s >= 12).astype(jnp.int32)
    r_start = 312 * w + jnp.maximum(w - 16, 0)

    zeros16 = jnp.zeros((16,), jnp.float32)
    ones16 = jnp.ones((16,), jnp.float32)

    pltpu.async_copy(h_in.at[pl.ds(r_start, HR)], hbuf, lsem)

    def fill(i, carry):
        onesb[i] = ones16
        for k in range(5):
            zb[i + 128 * k] = zeros16
        return carry
    lax.fori_loop(0, 128, fill, 0)

    pltpu.sync_copy(zb.at[pl.ds(0, 625)], deg_sh.at[pl.ds(s * 625, 625)])

    pltpu.sync_copy(e3.at[0, pl.ds(e_start, EH_BASE + 1)], idxb)

    plsc.subcore_barrier()

    def hfire(i, carry):
        pltpu.async_copy(onesb, deg_sh.at[idxb.at[i]], hsem, add=True)
        return carry
    lax.fori_loop(0, e_cnt, hfire, 0)

    def hdrain(i, carry):
        pltpu.make_async_copy(onesb, deg_sh.at[idxb.at[i]], hsem).wait()
        return carry
    lax.fori_loop(0, e_cnt, hdrain, 0)

    plsc.subcore_barrier()

    pltpu.sync_copy(deg_sh.at[pl.ds(r_start, HR)], invb)

    pltpu.make_async_copy(h_in.at[pl.ds(r_start, HR)], hbuf, lsem).wait()

    def sloop(r, carry):
        s16 = 1.0 / (invb[r] + 1.0)
        for k in range(8):
            hbuf[r, pl.ds(k * 16, 16)] = hbuf[r, pl.ds(k * 16, 16)] * s16
        return carry
    lax.fori_loop(0, HR, sloop, 0)

    pltpu.sync_copy(hbuf, hs_out.at[pl.ds(r_start, HR)])


def _aggregate_body(e3, hs_in, p_out, p_sh, ridx, cidx, msgs, sem, ssem):
    s = lax.axis_index("s")
    c = lax.axis_index("c")
    w = c * NS + s

    e_start = EA_BASE * w + jnp.maximum(w - 28, 0)
    e_cnt = EA_BASE + (w >= 28).astype(jnp.int32)

    zeros16 = jnp.zeros((16,), jnp.float32)

    def zl(i, carry):
        for k in range(8):
            msgs[i, pl.ds(k * 16, 16)] = zeros16
        return carry
    lax.fori_loop(0, 128, zl, 0)
    for j in range(4):
        pltpu.sync_copy(msgs.at[pl.ds(0, 128)],
                        p_sh.at[pl.ds(s * 625 + j * 128, 128)])
    pltpu.sync_copy(msgs.at[pl.ds(0, 113)],
                    p_sh.at[pl.ds(s * 625 + 512, 113)])

    plsc.subcore_barrier()

    def run_half(sz):
        pltpu.async_copy(hs_in.at[ridx.at[0]], msgs.at[pl.ds(0, 128)], sem)

        def ml(j, carry):
            off = (j % 2) * 128
            cur = msgs.at[pl.ds(off, 128)]
            pltpu.make_async_copy(hs_in.at[ridx.at[j]], cur, sem).wait()

            @pl.when(j > 0)
            def _drain_prev():
                poff = ((j - 1) % 2) * 128
                pltpu.make_async_copy(msgs.at[pl.ds(poff, 128)],
                                      p_sh.at[cidx.at[j - 1]], ssem).wait()

            @pl.when(j < sz - 1)
            def _prefetch():
                noff = ((j + 1) % 2) * 128
                pltpu.async_copy(hs_in.at[ridx.at[j + 1]],
                                 msgs.at[pl.ds(noff, 128)], sem)

            pltpu.async_copy(cur, p_sh.at[cidx.at[j]], ssem, add=True)
            return carry
        lax.fori_loop(0, sz, ml, 0)
        loff = ((sz - 1) % 2) * 128
        pltpu.make_async_copy(msgs.at[pl.ds(loff, 128)],
                              p_sh.at[cidx.at[sz - 1]], ssem).wait()

    pltpu.sync_copy(e3.at[0, pl.ds(e_start, 39)], ridx.at[pl.ds(0, 39)])
    pltpu.sync_copy(e3.at[1, pl.ds(e_start, 39)], cidx.at[pl.ds(0, 39)])
    run_half(39)
    pltpu.sync_copy(e3.at[0, pl.ds(e_start + 39, 40)], ridx)
    pltpu.sync_copy(e3.at[1, pl.ds(e_start + 39, 40)], cidx)
    run_half(e_cnt - 39)

    plsc.subcore_barrier()

    pltpu.sync_copy(p_sh.at[pl.ds(s * 625, 625)],
                    p_out.at[c, pl.ds(s * 625, 625)])


_deg_scale = functools.partial(
    pl.kernel,
    out_type=jax.ShapeDtypeStruct((N, D), jnp.float32),
    mesh=_MESH,
    scratch_types=[
        pltpu.VMEM_SHARED((N, 16), jnp.float32),
        pltpu.VMEM((EH_BASE + 1, 128), jnp.int32),
        pltpu.VMEM((128, 16), jnp.float32),
        pltpu.VMEM((640, 16), jnp.float32),
        pltpu.VMEM((HR, 128), jnp.float32),
        pltpu.VMEM((HR, 16), jnp.float32),
        pltpu.SemaphoreType.DMA,
        pltpu.SemaphoreType.DMA,
    ],
    compiler_params=_SC_PARAMS,
)(_deg_scale_body)


_aggregate = functools.partial(
    pl.kernel,
    out_type=jax.ShapeDtypeStruct((NC, N, D), jnp.float32),
    mesh=_MESH,
    scratch_types=[
        pltpu.VMEM_SHARED((N, D), jnp.float32),
        pltpu.VMEM((40, 128), jnp.int32),
        pltpu.VMEM((40, 128), jnp.int32),
        pltpu.VMEM((256, 128), jnp.float32),
        pltpu.SemaphoreType.DMA,
        pltpu.SemaphoreType.DMA,
    ],
    compiler_params=_SC_PARAMS,
)(_aggregate_body)


def _dense_body(p, hs, w_ref, b_ref, g_ref, be_ref, o_ref):
    agg = p[0] + p[1] + hs[...]
    lin = lax.dot_general(agg, w_ref[...], (((1,), (1,)), ((), ())),
                          preferred_element_type=jnp.float32) + b_ref[...]
    h = jnp.maximum(lin, 0.0)
    mean = jnp.mean(h, axis=-1, keepdims=True)
    var = jnp.mean((h - mean) ** 2, axis=-1, keepdims=True)
    o_ref[...] = (h - mean) * lax.rsqrt(var + 1e-5) * g_ref[...] + be_ref[...]


_BLK = 2000


def _dense(p, hs, W, b, gamma, beta):
    pblk = pl.BlockSpec((NC, _BLK, D), lambda i: (0, i, 0))
    blk = pl.BlockSpec((_BLK, D), lambda i: (i, 0))
    full = pl.BlockSpec((D, D), lambda i: (0, 0))
    vec = pl.BlockSpec((1, D), lambda i: (0, 0))
    return pl.pallas_call(
        _dense_body,
        grid=(N // _BLK,),
        in_specs=[pblk, blk, full, vec, vec, vec],
        out_specs=blk,
        out_shape=jax.ShapeDtypeStruct((N, D), jnp.float32),
    )(p, hs, W, b, gamma, beta)


def kernel(H, edge_index, num_nodes, W, b, gamma, beta):
    del num_nodes
    e3 = edge_index.reshape(2, EROWS, 128)

    hs = _deg_scale(e3, H)
    parts = _aggregate(e3, hs)
    return _dense(parts, hs, W,
                  b.reshape(1, D), gamma.reshape(1, D), beta.reshape(1, D))

# --- scband reference (transcript-rebuilt; emitter-appended) ---
"""Pipeline reference for scband-gnnlayer-21938692948450 (READ-ONLY COPY).

The authoritative reference and input builder live on the scoring server;
editing this copy changes nothing except your own understanding.
"""

import jax, jax.numpy as jnp
import numpy as np

N = 10000
E = 320000
D_IN = 128
D_OUT = 128


def setup_inputs(seed: int = 0) -> dict:
    key = jax.random.key(seed)
    k1, k2, k3 = jax.random.split(key, 3)
    H = jax.random.normal(k1, (N, D_IN), dtype=jnp.float32)
    edge_index = jax.random.randint(k2, (2, E), 0, N, dtype=jnp.int32)
    num_nodes = N
    # learned params: nn.Linear(128, 128) + LayerNorm(128)
    W = jax.random.normal(k3, (D_OUT, D_IN), dtype=jnp.float32) * (1.0 / np.sqrt(D_IN))
    b = jnp.zeros((D_OUT,), dtype=jnp.float32)
    gamma = jnp.ones((D_OUT,), dtype=jnp.float32)
    beta = jnp.zeros((D_OUT,), dtype=jnp.float32)
    return {"H": H, "edge_index": edge_index, "num_nodes": num_nodes, "W": W, "b": b, "gamma": gamma, "beta": beta}


def reference(H, edge_index, num_nodes, W, b, gamma, beta):
    row = edge_index[0]
    col = edge_index[1]
    n_static = H.shape[0]
    zero_off = (jnp.asarray(num_nodes, dtype=row.dtype) - jnp.asarray(n_static, dtype=row.dtype))
    self_loops = jnp.arange(n_static, dtype=row.dtype) + zero_off
    row = jnp.concatenate([row, self_loops])
    col = jnp.concatenate([col, self_loops])
    # degree computed by scatter-add of ones over row
    deg = jnp.zeros((n_static,), dtype=jnp.float32).at[row].add(1.0)
    deg_inv = 1.0 / jnp.maximum(deg, 1.0)
    # gather source features, scale by source deg_inv, scatter-add into destination
    msgs = H[row] * deg_inv[row][:, None]
    H_agg = jnp.zeros_like(H).at[col].add(msgs)
    # linear + relu (dropout is identity in eval)
    H_lin = H_agg @ W.T + b
    H_out = jax.nn.relu(H_lin)
    # layernorm over last dim (eps=1e-5, biased variance, matches torch)
    mean = jnp.mean(H_out, axis=-1, keepdims=True)
    var = jnp.var(H_out, axis=-1, keepdims=True)
    H_norm = (H_out - mean) / jnp.sqrt(var + 1e-5) * gamma + beta
    return H_norm

if __name__ == "__main__":
    import jax
    _d = setup_inputs()
    print(jax.jit(kernel)(*tuple(_d.values())))

</pallas_src>

<mosaic_0001>
#map = affine_map<(d0, d1) -> (0, 0, 0)>
#map1 = affine_map<(d0, d1) -> (0, 0)>
module attributes {stable_mosaic.version = 14 : i64} {
  func.func @_aggregate_body(%arg0: i32, %arg1: i32, %arg2: memref<2x2500x128xi32, #tpu.memory_space<hbm>>, %arg3: memref<10000x128xf32, #tpu.memory_space<hbm>>, %arg4: memref<2x10000x128xf32, #tpu.memory_space<hbm>>, %arg5: memref<10000x128xf32, #tpu.memory_space<vmem_shared>>, %arg6: memref<40x128xi32, #tpu.memory_space<vmem>>, %arg7: memref<40x128xi32, #tpu.memory_space<vmem>>, %arg8: memref<256x128xf32, #tpu.memory_space<vmem>>, %arg9: memref<!tpu.dma_semaphore, #tpu.memory_space<semaphore_mem>>, %arg10: memref<!tpu.dma_semaphore, #tpu.memory_space<semaphore_mem>>) attributes {dimension_semantics = [#tpu.dimension_semantics<core_parallel>, #tpu.dimension_semantics<subcore_parallel>], iteration_bounds = array<i64: 2, 16>, scalar_prefetch = 0 : i64, scratch_operands = 6 : i64, tpu.core_type = #tpu.core_type<sc_vector_subcore>, window_params = [{transform_indices = #map}, {transform_indices = #map1}, {transform_indices = #map}]} {
    %mul3A = arith.constant 16 : i32
    %mul3A_0 = arith.muli %arg0, %mul3A : i32
    %add3A = arith.addi %mul3A_0, %arg1 : i32
    %mul3A_1 = arith.constant 78 : i32
    %mul3A_2 = arith.muli %mul3A_1, %add3A : i32
    %sub3A = arith.constant 28 : i32
    %sub3A_3 = arith.subi %add3A, %sub3A : i32
    %max3A = arith.constant 0 : i32
    %max3A_4 = arith.maxsi %sub3A_3, %max3A : i32
    %add3A_5 = arith.addi %mul3A_2, %max3A_4 : i32
    %ge3A = arith.constant 28 : i32
    %ge3A_6 = arith.cmpi sge, %add3A, %ge3A : i32
    %convert_element_type3A = arith.extui %ge3A_6 : i1 to i32
    %add3A_7 = arith.constant 78 : i32
    %add3A_8 = arith.addi %add3A_7, %convert_element_type3A : i32
    %broadcast_in_dim3A = arith.constant 0.000000e+00 : f32
    %broadcast_in_dim3A_9 = vector.broadcast %broadcast_in_dim3A : f32 to vector<16xf32>
    %scan3A = arith.constant 0 : i32
    %scan3A_10 = arith.constant 0 : i32
    %scan3A_11 = arith.constant 128 : i32
    %scan3A_12 = arith.addi %scan3A_10, %scan3A_11 : i32
    %scan3A_13 = arith.constant 1 : i32
    scf.for %scan3A_115 = %scan3A_10 to %scan3A_12 step %scan3A_13  : i32 {
      %swap3A = arith.index_cast %scan3A_115 : i32 to index
      %swap3A_116 = arith.constant 0 : index
      %swap3A_117 = tpu.vector_load %arg8[%swap3A, %swap3A_116] {strides = array<i32>} : memref<256x128xf32, #tpu.memory_space<vmem>>, vector<1x16xf32>,
      %swap3A_118 = vector.shape_cast %swap3A_117 : vector<1x16xf32> to vector<16xf32>
      %swap3A_119 = vector.shape_cast %broadcast_in_dim3A_9 : vector<16xf32> to vector<1x16xf32>
      tpu.vector_store %arg8[%swap3A, %swap3A_116], %swap3A_119 {strides = array<i32>} : memref<256x128xf32, #tpu.memory_space<vmem>>, vector<1x16xf32>,
      %swap3A_120 = arith.index_cast %scan3A_115 : i32 to index
      %swap3A_121 = arith.constant 16 : index
      %swap3A_122 = tpu.vector_load %arg8[%swap3A_120, %swap3A_121] {strides = array<i32>} : memref<256x128xf32, #tpu.memory_space<vmem>>, vector<1x16xf32>,
      %swap3A_123 = vector.shape_cast %swap3A_122 : vector<1x16xf32> to vector<16xf32>
      %swap3A_124 = vector.shape_cast %broadcast_in_dim3A_9 : vector<16xf32> to vector<1x16xf32>
      tpu.vector_store %arg8[%swap3A_120, %swap3A_121], %swap3A_124 {strides = array<i32>} : memref<256x128xf32, #tpu.memory_space<vmem>>, vector<1x16xf32>,
      %swap3A_125 = arith.index_cast %scan3A_115 : i32 to index
      %swap3A_126 = arith.constant 32 : index
      %swap3A_127 = tpu.vector_load %arg8[%swap3A_125, %swap3A_126] {strides = array<i32>} : memref<256x128xf32, #tpu.memory_space<vmem>>, vector<1x16xf32>,
      %swap3A_128 = vector.shape_cast %swap3A_127 : vector<1x16xf32> to vector<16xf32>
      %swap3A_129 = vector.shape_cast %broadcast_in_dim3A_9 : vector<16xf32> to vector<1x16xf32>
      tpu.vector_store %arg8[%swap3A_125, %swap3A_126], %swap3A_129 {strides = array<i32>} : memref<256x128xf32, #tpu.memory_space<vmem>>, vector<1x16xf32>,
      %swap3A_130 = arith.index_cast %scan3A_115 : i32 to index
      %swap3A_131 = arith.constant 48 : index
      %swap3A_132 = tpu.vector_load %arg8[%swap3A_130, %swap3A_131] {strides = array<i32>} : memref<256x128xf32, #tpu.memory_space<vmem>>, vector<1x16xf32>,
      %swap3A_133 = vector.shape_cast %swap3A_132 : vector<1x16xf32> to vector<16xf32>
      %swap3A_134 = vector.shape_cast %broadcast_in_dim3A_9 : vector<16xf32> to vector<1x16xf32>
      tpu.vector_store %arg8[%swap3A_130, %swap3A_131], %swap3A_134 {strides = array<i32>} : memref<256x128xf32, #tpu.memory_space<vmem>>, vector<1x16xf32>,
      %swap3A_135 = arith.index_cast %scan3A_115 : i32 to index
      %swap3A_136 = arith.constant 64 : index
      %swap3A_137 = tpu.vector_load %arg8[%swap3A_135, %swap3A_136] {strides = array<i32>} : memref<256x128xf32, #tpu.memory_space<vmem>>, vector<1x16xf32>,
      %swap3A_138 = vector.shape_cast %swap3A_137 : vector<1x16xf32> to vector<16xf32>
      %swap3A_139 = vector.shape_cast %broadcast_in_dim3A_9 : vector<16xf32> to vector<1x16xf32>
      tpu.vector_store %arg8[%swap3A_135, %swap3A_136], %swap3A_139 {strides = array<i32>} : memref<256x128xf32, #tpu.memory_space<vmem>>, vector<1x16xf32>,
      %swap3A_140 = arith.index_cast %scan3A_115 : i32 to index
      %swap3A_141 = arith.constant 80 : index
      %swap3A_142 = tpu.vector_load %arg8[%swap3A_140, %swap3A_141] {strides = array<i32>} : memref<256x128xf32, #tpu.memory_space<vmem>>, vector<1x16xf32>,
      %swap3A_143 = vector.shape_cast %swap3A_142 : vector<1x16xf32> to vector<16xf32>
      %swap3A_144 = vector.shape_cast %broadcast_in_dim3A_9 : vector<16xf32> to vector<1x16xf32>
      tpu.vector_store %arg8[%swap3A_140, %swap3A_141], %swap3A_144 {strides = array<i32>} : memref<256x128xf32, #tpu.memory_space<vmem>>, vector<1x16xf32>,
      %swap3A_145 = arith.index_cast %scan3A_115 : i32 to index
      %swap3A_146 = arith.constant 96 : index
      %swap3A_147 = tpu.vector_load %arg8[%swap3A_145, %swap3A_146] {strides = array<i32>} : memref<256x128xf32, #tpu.memory_space<vmem>>, vector<1x16xf32>,
      %swap3A_148 = vector.shape_cast %swap3A_147 : vector<1x16xf32> to vector<16xf32>
      %swap3A_149 = vector.shape_cast %broadcast_in_dim3A_9 : vector<16xf32> to vector<1x16xf32>
      tpu.vector_store %arg8[%swap3A_145, %swap3A_146], %swap3A_149 {strides = array<i32>} : memref<256x128xf32, #tpu.memory_space<vmem>>, vector<1x16xf32>,
      %swap3A_150 = arith.index_cast %scan3A_115 : i32 to index
      %swap3A_151 = arith.constant 112 : index
      %swap3A_152 = tpu.vector_load %arg8[%swap3A_150, %swap3A_151] {strides = array<i32>} : memref<256x128xf32, #tpu.memory_space<vmem>>, vector<1x16xf32>,
      %swap3A_153 = vector.shape_cast %swap3A_152 : vector<1x16xf32> to vector<16xf32>
      %swap3A_154 = vector.shape_cast %broadcast_in_dim3A_9 : vector<16xf32> to vector<1x16xf32>
      tpu.vector_store %arg8[%swap3A_150, %swap3A_151], %swap3A_154 {strides = array<i32>} : memref<256x128xf32, #tpu.memory_space<vmem>>, vector<1x16xf32>,
    }
    %scan3A_14 = arith.constant 128 : i32
    %mul3A_15 = arith.constant 625 : i32
    %mul3A_16 = arith.muli %arg1, %mul3A_15 : i32
    %add3A_17 = arith.constant 0 : i32
    %add3A_18 = arith.addi %mul3A_16, %add3A_17 : i32
    "tpu.region"() ({
      %run_scoped3A_115 = tpu.sem_alloc : memref<!tpu.dma_semaphore, #tpu.memory_space<semaphore_mem>>
      %dma_start3A_116 = arith.constant 0 : i32
      %dma_start3A_117 = arith.constant 0 : i32
      %dma_start3A_118 = tpu.memref_slice %arg8[%dma_start3A_116, %dma_start3A_117] : memref<256x128xf32, #tpu.memory_space<vmem>> -> memref<128x128xf32, #tpu.memory_space<vmem>>
      %dma_start3A_119 = arith.constant 0 : i32
      %dma_start3A_120 = tpu.memref_slice %arg5[%add3A_18, %dma_start3A_119] : memref<10000x128xf32, #tpu.memory_space<vmem_shared>> -> memref<128x128xf32, #tpu.memory_space<vmem_shared>>
      %dma_start3A_121 = arith.constant 0 : i32
      %dma_start3A_122 = tpu.memref_slice %arg5[%add3A_18, %dma_start3A_121] : memref<10000x128xf32, #tpu.memory_space<vmem_shared>> -> memref<128x128xf32, #tpu.memory_space<vmem_shared>>
      %dma_start3A_123 = arith.constant 0 : i32
      %dma_start3A_124 = arith.constant 0 : i32
      %dma_start3A_125 = tpu.memref_slice %arg8[%dma_start3A_123, %dma_start3A_124] : memref<256x128xf32, #tpu.memory_space<vmem>> -> memref<128x128xf32, #tpu.memory_space<vmem>>
      tpu.enqueue_dma source(%dma_start3A_125 : memref<128x128xf32, #tpu.memory_space<vmem>>) target(%dma_start3A_122 : memref<128x128xf32, #tpu.memory_space<vmem_shared>>) target_semaphore(%run_scoped3A_115 : memref<!tpu.dma_semaphore, #tpu.memory_space<semaphore_mem>>)
      %dma_wait3A_126 = arith.constant 0 : i32
      %dma_wait3A_127 = arith.constant 0 : i32
      %dma_wait3A_128 = tpu.memref_slice %arg8[%dma_wait3A_126, %dma_wait3A_127] : memref<256x128xf32, #tpu.memory_space<vmem>> -> memref<128x128xf32, #tpu.memory_space<vmem>>
      %dma_wait3A_129 = arith.constant 0 : i32
      %dma_wait3A_130 = tpu.memref_slice %arg5[%add3A_18, %dma_wait3A_129] : memref<10000x128xf32, #tpu.memory_space<vmem_shared>> -> memref<128x128xf32, #tpu.memory_space<vmem_shared>>
      %dma_wait3A_131 = arith.constant 0 : i32
      %dma_wait3A_132 = tpu.memref_slice %arg5[%add3A_18, %dma_wait3A_131] : memref<10000x128xf32, #tpu.memory_space<vmem_shared>> -> memref<128x128xf32, #tpu.memory_space<vmem_shared>>
      %dma_wait3A_133 = arith.constant 0 : i32
      %dma_wait3A_134 = arith.constant 0 : i32
      %dma_wait3A_135 = tpu.memref_slice %arg8[%dma_wait3A_133, %dma_wait3A_134] : memref<256x128xf32, #tpu.memory_space<vmem>> -> memref<128x128xf32, #tpu.memory_space<vmem>>
      tpu.wait_dma2 semaphore(%run_scoped3A_115 : memref<!tpu.dma_semaphore, #tpu.memory_space<semaphore_mem>>) src(%dma_wait3A_135 : memref<128x128xf32, #tpu.memory_space<vmem>>) dst(%dma_wait3A_132 : memref<128x128xf32, #tpu.memory_space<vmem_shared>>)
      tpu.yield
    }) : () -> ()
    %mul3A_19 = arith.constant 625 : i32
    %mul3A_20 = arith.muli %arg1, %mul3A_19 : i32
    %add3A_21 = arith.constant 128 : i32
    %add3A_22 = arith.addi %mul3A_20, %add3A_21 : i32
    "tpu.region"() ({
      %run_scoped3A_115 = tpu.sem_alloc : memref<!tpu.dma_semaphore, #tpu.memory_space<semaphore_mem>>
      %dma_start3A_116 = arith.constant 0 : i32
      %dma_start3A_117 = arith.constant 0 : i32
      %dma_start3A_118 = tpu.memref_slice %arg8[%dma_start3A_116, %dma_start3A_117] : memref<256x128xf32, #tpu.memory_space<vmem>> -> memref<128x128xf32, #tpu.memory_space<vmem>>
      %dma_start3A_119 = arith.constant 0 : i32
      %dma_start3A_120 = tpu.memref_slice %arg5[%add3A_22, %dma_start3A_119] : memref<10000x128xf32, #tpu.memory_space<vmem_shared>> -> memref<128x128xf32, #tpu.memory_space<vmem_shared>>
      %dma_start3A_121 = arith.constant 0 : i32
      %dma_start3A_122 = tpu.memref_slice %arg5[%add3A_22, %dma_start3A_121] : memref<10000x128xf32, #tpu.memory_space<vmem_shared>> -> memref<128x128xf32, #tpu.memory_space<vmem_shared>>
      %dma_start3A_123 = arith.constant 0 : i32
      %dma_start3A_124 = arith.constant 0 : i32
      %dma_start3A_125 = tpu.memref_slice %arg8[%dma_start3A_123, %dma_start3A_124] : memref<256x128xf32, #tpu.memory_space<vmem>> -> memref<128x128xf32, #tpu.memory_space<vmem>>
      tpu.enqueue_dma source(%dma_start3A_125 : memref<128x128xf32, #tpu.memory_space<vmem>>) target(%dma_start3A_122 : memref<128x128xf32, #tpu.memory_space<vmem_shared>>) target_semaphore(%run_scoped3A_115 : memref<!tpu.dma_semaphore, #tpu.memory_space<semaphore_mem>>)
      %dma_wait3A_126 = arith.constant 0 : i32
      %dma_wait3A_127 = arith.constant 0 : i32
      %dma_wait3A_128 = tpu.memref_slice %arg8[%dma_wait3A_126, %dma_wait3A_127] : memref<256x128xf32, #tpu.memory_space<vmem>> -> memref<128x128xf32, #tpu.memory_space<vmem>>
      %dma_wait3A_129 = arith.constant 0 : i32
      %dma_wait3A_130 = tpu.memref_slice %arg5[%add3A_22, %dma_wait3A_129] : memref<10000x128xf32, #tpu.memory_space<vmem_shared>> -> memref<128x128xf32, #tpu.memory_space<vmem_shared>>
      %dma_wait3A_131 = arith.constant 0 : i32
      %dma_wait3A_132 = tpu.memref_slice %arg5[%add3A_22, %dma_wait3A_131] : memref<10000x128xf32, #tpu.memory_space<vmem_shared>> -> memref<128x128xf32, #tpu.memory_space<vmem_shared>>
      %dma_wait3A_133 = arith.constant 0 : i32
      %dma_wait3A_134 = arith.constant 0 : i32
      %dma_wait3A_135 = tpu.memref_slice %arg8[%dma_wait3A_133, %dma_wait3A_134] : memref<256x128xf32, #tpu.memory_space<vmem>> -> memref<128x128xf32, #tpu.memory_space<vmem>>
      tpu.wait_dma2 semaphore(%run_scoped3A_115 : memref<!tpu.dma_semaphore, #tpu.memory_space<semaphore_mem>>) src(%dma_wait3A_135 : memref<128x128xf32, #tpu.memory_space<vmem>>) dst(%dma_wait3A_132 : memref<128x128xf32, #tpu.memory_space<vmem_shared>>)
      tpu.yield
    }) : () -> ()
    %mul3A_23 = arith.constant 625 : i32
    %mul3A_24 = arith.muli %arg1, %mul3A_23 : i32
    %add3A_25 = arith.constant 256 : i32
    %add3A_26 = arith.addi %mul3A_24, %add3A_25 : i32
    "tpu.region"() ({
      %run_scoped3A_115 = tpu.sem_alloc : memref<!tpu.dma_semaphore, #tpu.memory_space<semaphore_mem>>
      %dma_start3A_116 = arith.constant 0 : i32
      %dma_start3A_117 = arith.constant 0 : i32
      %dma_start3A_118 = tpu.memref_slice %arg8[%dma_start3A_116, %dma_start3A_117] : memref<256x128xf32, #tpu.memory_space<vmem>> -> memref<128x128xf32, #tpu.memory_space<vmem>>
      %dma_start3A_119 = arith.constant 0 : i32
      %dma_start3A_120 = tpu.memref_slice %arg5[%add3A_26, %dma_start3A_119] : memref<10000x128xf32, #tpu.memory_space<vmem_shared>> -> memref<128x128xf32, #tpu.memory_space<vmem_shared>>
      %dma_start3A_121 = arith.constant 0 : i32
      %dma_start3A_122 = tpu.memref_slice %arg5[%add3A_26, %dma_start3A_121] : memref<10000x128xf32, #tpu.memory_space<vmem_shared>> -> memref<128x128xf32, #tpu.memory_space<vmem_shared>>
      %dma_start3A_123 = arith.constant 0 : i32
      %dma_start3A_124 = arith.constant 0 : i32
      %dma_start3A_125 = tpu.memref_slice %arg8[%dma_start3A_123, %dma_start3A_124] : memref<256x128xf32, #tpu.memory_space<vmem>> -> memref<128x128xf32, #tpu.memory_space<vmem>>
      tpu.enqueue_dma source(%dma_start3A_125 : memref<128x128xf32, #tpu.memory_space<vmem>>) target(%dma_start3A_122 : memref<128x128xf32, #tpu.memory_space<vmem_shared>>) target_semaphore(%run_scoped3A_115 : memref<!tpu.dma_semaphore, #tpu.memory_space<semaphore_mem>>)
      %dma_wait3A_126 = arith.constant 0 : i32
      %dma_wait3A_127 = arith.constant 0 : i32
      %dma_wait3A_128 = tpu.memref_slice %arg8[%dma_wait3A_126, %dma_wait3A_127] : memref<256x128xf32, #tpu.memory_space<vmem>> -> memref<128x128xf32, #tpu.memory_space<vmem>>
      %dma_wait3A_129 = arith.constant 0 : i32
      %dma_wait3A_130 = tpu.memref_slice %arg5[%add3A_26, %dma_wait3A_129] : memref<10000x128xf32, #tpu.memory_space<vmem_shared>> -> memref<128x128xf32, #tpu.memory_space<vmem_shared>>
      %dma_wait3A_131 = arith.constant 0 : i32
      %dma_wait3A_132 = tpu.memref_slice %arg5[%add3A_26, %dma_wait3A_131] : memref<10000x128xf32, #tpu.memory_space<vmem_shared>> -> memref<128x128xf32, #tpu.memory_space<vmem_shared>>
      %dma_wait3A_133 = arith.constant 0 : i32
      %dma_wait3A_134 = arith.constant 0 : i32
      %dma_wait3A_135 = tpu.memref_slice %arg8[%dma_wait3A_133, %dma_wait3A_134] : memref<256x128xf32, #tpu.memory_space<vmem>> -> memref<128x128xf32, #tpu.memory_space<vmem>>
      tpu.wait_dma2 semaphore(%run_scoped3A_115 : memref<!tpu.dma_semaphore, #tpu.memory_space<semaphore_mem>>) src(%dma_wait3A_135 : memref<128x128xf32, #tpu.memory_space<vmem>>) dst(%dma_wait3A_132 : memref<128x128xf32, #tpu.memory_space<vmem_shared>>)
      tpu.yield
    }) : () -> ()
    %mul3A_27 = arith.constant 625 : i32
    %mul3A_28 = arith.muli %arg1, %mul3A_27 : i32
    %add3A_29 = arith.constant 384 : i32
    %add3A_30 = arith.addi %mul3A_28, %add3A_29 : i32
    "tpu.region"() ({
      %run_scoped3A_115 = tpu.sem_alloc : memref<!tpu.dma_semaphore, #tpu.memory_space<semaphore_mem>>
      %dma_start3A_116 = arith.constant 0 : i32
      %dma_start3A_117 = arith.constant 0 : i32
      %dma_start3A_118 = tpu.memref_slice %arg8[%dma_start3A_116, %dma_start3A_117] : memref<256x128xf32, #tpu.memory_space<vmem>> -> memref<128x128xf32, #tpu.memory_space<vmem>>
      %dma_start3A_119 = arith.constant 0 : i32
      %dma_start3A_120 = tpu.memref_slice %arg5[%add3A_30, %dma_start3A_119] : memref<10000x128xf32, #tpu.memory_space<vmem_shared>> -> memref<128x128xf32, #tpu.memory_space<vmem_shared>>
      %dma_start3A_121 = arith.constant 0 : i32
      %dma_start3A_122 = tpu.memref_slice %arg5[%add3A_30, %dma_start3A_121] : memref<10000x128xf32, #tpu.memory_space<vmem_shared>> -> memref<128x128xf32, #tpu.memory_space<vmem_shared>>
      %dma_start3A_123 = arith.constant 0 : i32
      %dma_start3A_124 = arith.constant 0 : i32
      %dma_start3A_125 = tpu.memref_slice %arg8[%dma_start3A_123, %dma_start3A_124] : memref<256x128xf32, #tpu.memory_space<vmem>> -> memref<128x128xf32, #tpu.memory_space<vmem>>
      tpu.enqueue_dma source(%dma_start3A_125 : memref<128x128xf32, #tpu.memory_space<vmem>>) target(%dma_start3A_122 : memref<128x128xf32, #tpu.memory_space<vmem_shared>>) target_semaphore(%run_scoped3A_115 : memref<!tpu.dma_semaphore, #tpu.memory_space<semaphore_mem>>)
      %dma_wait3A_126 = arith.constant 0 : i32
      %dma_wait3A_127 = arith.constant 0 : i32
      %dma_wait3A_128 = tpu.memref_slice %arg8[%dma_wait3A_126, %dma_wait3A_127] : memref<256x128xf32, #tpu.memory_space<vmem>> -> memref<128x128xf32, #tpu.memory_space<vmem>>
      %dma_wait3A_129 = arith.constant 0 : i32
      %dma_wait3A_130 = tpu.memref_slice %arg5[%add3A_30, %dma_wait3A_129] : memref<10000x128xf32, #tpu.memory_space<vmem_shared>> -> memref<128x128xf32, #tpu.memory_space<vmem_shared>>
      %dma_wait3A_131 = arith.constant 0 : i32
      %dma_wait3A_132 = tpu.memref_slice %arg5[%add3A_30, %dma_wait3A_131] : memref<10000x128xf32, #tpu.memory_space<vmem_shared>> -> memref<128x128xf32, #tpu.memory_space<vmem_shared>>
      %dma_wait3A_133 = arith.constant 0 : i32
      %dma_wait3A_134 = arith.constant 0 : i32
      %dma_wait3A_135 = tpu.memref_slice %arg8[%dma_wait3A_133, %dma_wait3A_134] : memref<256x128xf32, #tpu.memory_space<vmem>> -> memref<128x128xf32, #tpu.memory_space<vmem>>
      tpu.wait_dma2 semaphore(%run_scoped3A_115 : memref<!tpu.dma_semaphore, #tpu.memory_space<semaphore_mem>>) src(%dma_wait3A_135 : memref<128x128xf32, #tpu.memory_space<vmem>>) dst(%dma_wait3A_132 : memref<128x128xf32, #tpu.memory_space<vmem_shared>>)
      tpu.yield
    }) : () -> ()
    %mul3A_31 = arith.constant 625 : i32
    %mul3A_32 = arith.muli %arg1, %mul3A_31 : i32
    %add3A_33 = arith.constant 512 : i32
    %add3A_34 = arith.addi %mul3A_32, %add3A_33 : i32
    "tpu.region"() ({
      %run_scoped3A_115 = tpu.sem_alloc : memref<!tpu.dma_semaphore, #tpu.memory_space<semaphore_mem>>
      %dma_start3A_116 = arith.constant 0 : i32
      %dma_start3A_117 = arith.constant 0 : i32
      %dma_start3A_118 = tpu.memref_slice %arg8[%dma_start3A_116, %dma_start3A_117] : memref<256x128xf32, #tpu.memory_space<vmem>> -> memref<113x128xf32, #tpu.memory_space<vmem>>
      %dma_start3A_119 = arith.constant 0 : i32
      %dma_start3A_120 = tpu.memref_slice %arg5[%add3A_34, %dma_start3A_119] : memref<10000x128xf32, #tpu.memory_space<vmem_shared>> -> memref<113x128xf32, #tpu.memory_space<vmem_shared>>
      %dma_start3A_121 = arith.constant 0 : i32
      %dma_start3A_122 = tpu.memref_slice %arg5[%add3A_34, %dma_start3A_121] : memref<10000x128xf32, #tpu.memory_space<vmem_shared>> -> memref<113x128xf32, #tpu.memory_space<vmem_shared>>
      %dma_start3A_123 = arith.constant 0 : i32
      %dma_start3A_124 = arith.constant 0 : i32
      %dma_start3A_125 = tpu.memref_slice %arg8[%dma_start3A_123, %dma_start3A_124] : memref<256x128xf32, #tpu.memory_space<vmem>> -> memref<113x128xf32, #tpu.memory_space<vmem>>
      tpu.enqueue_dma source(%dma_start3A_125 : memref<113x128xf32, #tpu.memory_space<vmem>>) target(%dma_start3A_122 : memref<113x128xf32, #tpu.memory_space<vmem_shared>>) target_semaphore(%run_scoped3A_115 : memref<!tpu.dma_semaphore, #tpu.memory_space<semaphore_mem>>)
      %dma_wait3A_126 = arith.constant 0 : i32
      %dma_wait3A_127 = arith.constant 0 : i32
      %dma_wait3A_128 = tpu.memref_slice %arg8[%dma_wait3A_126, %dma_wait3A_127] : memref<256x128xf32, #tpu.memory_space<vmem>> -> memref<113x128xf32, #tpu.memory_space<vmem>>
      %dma_wait3A_129 = arith.constant 0 : i32
      %dma_wait3A_130 = tpu.memref_slice %arg5[%add3A_34, %dma_wait3A_129] : memref<10000x128xf32, #tpu.memory_space<vmem_shared>> -> memref<113x128xf32, #tpu.memory_space<vmem_shared>>
      %dma_wait3A_131 = arith.constant 0 : i32
      %dma_wait3A_132 = tpu.memref_slice %arg5[%add3A_34, %dma_wait3A_131] : memref<10000x128xf32, #tpu.memory_space<vmem_shared>> -> memref<113x128xf32, #tpu.memory_space<vmem_shared>>
      %dma_wait3A_133 = arith.constant 0 : i32
      %dma_wait3A_134 = arith.constant 0 : i32
      %dma_wait3A_135 = tpu.memref_slice %arg8[%dma_wait3A_133, %dma_wait3A_134] : memref<256x128xf32, #tpu.memory_space<vmem>> -> memref<113x128xf32, #tpu.memory_space<vmem>>
      tpu.wait_dma2 semaphore(%run_scoped3A_115 : memref<!tpu.dma_semaphore, #tpu.memory_space<semaphore_mem>>) src(%dma_wait3A_135 : memref<113x128xf32, #tpu.memory_space<vmem>>) dst(%dma_wait3A_132 : memref<113x128xf32, #tpu.memory_space<vmem_shared>>)
      tpu.yield
    }) : () -> ()
    %barrier3A = arith.constant 0 : index
    tpu.barrier barrier_id(%barrier3A)
    %run_scoped3A = arith.constant 0 : i32
    "tpu.region"() ({
      %run_scoped3A_115 = tpu.sem_alloc : memref<!tpu.dma_semaphore, #tpu.memory_space<semaphore_mem>>
      %dma_start3A_116 = arith.constant 0 : i32
      %dma_start3A_117 = arith.constant 0 : i32
      %dma_start3A_118 = tpu.memref_slice %arg6[%dma_start3A_116, %dma_start3A_117] : memref<40x128xi32, #tpu.memory_space<vmem>> -> memref<39x128xi32, #tpu.memory_space<vmem>>
      %dma_start3A_119 = arith.constant 0 : i32
      %dma_start3A_120 = tpu.memref_slice %arg2[%run_scoped3A, %add3A_5, %dma_start3A_119] : memref<2x2500x128xi32, #tpu.memory_space<hbm>> -> memref<1x39x128xi32, #tpu.memory_space<hbm>>
      %dma_start3A_121 = tpu.memref_squeeze %dma_start3A_120 : memref<1x39x128xi32, #tpu.memory_space<hbm>> -> memref<39x128xi32, #tpu.memory_space<hbm>>
      %dma_start3A_122 = arith.constant 0 : i32
      %dma_start3A_123 = arith.constant 0 : i32
      %dma_start3A_124 = tpu.memref_slice %arg6[%dma_start3A_122, %dma_start3A_123] : memref<40x128xi32, #tpu.memory_space<vmem>> -> memref<39x128xi32, #tpu.memory_space<vmem>>
      %dma_start3A_125 = arith.constant 0 : i32
      %dma_start3A_126 = tpu.memref_slice %arg2[%run_scoped3A, %add3A_5, %dma_start3A_125] : memref<2x2500x128xi32, #tpu.memory_space<hbm>> -> memref<1x39x128xi32, #tpu.memory_space<hbm>>
      %dma_start3A_127 = tpu.memref_squeeze %dma_start3A_126 : memref<1x39x128xi32, #tpu.memory_space<hbm>> -> memref<39x128xi32, #tpu.memory_space<hbm>>
      tpu.enqueue_dma source(%dma_start3A_127 : memref<39x128xi32, #tpu.memory_space<hbm>>) target(%dma_start3A_124 : memref<39x128xi32, #tpu.memory_space<vmem>>) target_semaphore(%run_scoped3A_115 : memref<!tpu.dma_semaphore, #tpu.memory_space<semaphore_mem>>)
      %dma_wait3A_128 = arith.constant 0 : i32
      %dma_wait3A_129 = arith.constant 0 : i32
      %dma_wait3A_130 = tpu.memref_slice %arg6[%dma_wait3A_128, %dma_wait3A_129] : memref<40x128xi32, #tpu.memory_space<vmem>> -> memref<39x128xi32, #tpu.memory_space<vmem>>
      %dma_wait3A_131 = arith.constant 0 : i32
      %dma_wait3A_132 = tpu.memref_slice %arg2[%run_scoped3A, %add3A_5, %dma_wait3A_131] : memref<2x2500x128xi32, #tpu.memory_space<hbm>> -> memref<1x39x128xi32, #tpu.memory_space<hbm>>
      %dma_wait3A_133 = tpu.memref_squeeze %dma_wait3A_132 : memref<1x39x128xi32, #tpu.memory_space<hbm>> -> memref<39x128xi32, #tpu.memory_space<hbm>>
      %dma_wait3A_134 = arith.constant 0 : i32
      %dma_wait3A_135 = arith.constant 0 : i32
      %dma_wait3A_136 = tpu.memref_slice %arg6[%dma_wait3A_134, %dma_wait3A_135] : memref<40x128xi32, #tpu.memory_space<vmem>> -> memref<39x128xi32, #tpu.memory_space<vmem>>
      %dma_wait3A_137 = arith.constant 0 : i32
      %dma_wait3A_138 = tpu.memref_slice %arg2[%run_scoped3A, %add3A_5, %dma_wait3A_137] : memref<2x2500x128xi32, #tpu.memory_space<hbm>> -> memref<1x39x128xi32, #tpu.memory_space<hbm>>
      %dma_wait3A_139 = tpu.memref_squeeze %dma_wait3A_138 : memref<1x39x128xi32, #tpu.memory_space<hbm>> -> memref<39x128xi32, #tpu.memory_space<hbm>>
      tpu.wait_dma2 semaphore(%run_scoped3A_115 : memref<!tpu.dma_semaphore, #tpu.memory_space<semaphore_mem>>) src(%dma_wait3A_139 : memref<39x128xi32, #tpu.memory_space<hbm>>) dst(%dma_wait3A_136 : memref<39x128xi32, #tpu.memory_space<vmem>>)
      tpu.yield
    }) : () -> ()
    %run_scoped3A_35 = arith.constant 1 : i32
    "tpu.region"() ({
      %run_scoped3A_115 = tpu.sem_alloc : memref<!tpu.dma_semaphore, #tpu.memory_space<semaphore_mem>>
      %dma_start3A_116 = arith.constant 0 : i32
      %dma_start3A_117 = arith.constant 0 : i32
      %dma_start3A_118 = tpu.memref_slice %arg7[%dma_start3A_116, %dma_start3A_117] : memref<40x128xi32, #tpu.memory_space<vmem>> -> memref<39x128xi32, #tpu.memory_space<vmem>>
      %dma_start3A_119 = arith.constant 0 : i32
      %dma_start3A_120 = tpu.memref_slice %arg2[%run_scoped3A_35, %add3A_5, %dma_start3A_119] : memref<2x2500x128xi32, #tpu.memory_space<hbm>> -> memref<1x39x128xi32, #tpu.memory_space<hbm>>
      %dma_start3A_121 = tpu.memref_squeeze %dma_start3A_120 : memref<1x39x128xi32, #tpu.memory_space<hbm>> -> memref<39x128xi32, #tpu.memory_space<hbm>>
      %dma_start3A_122 = arith.constant 0 : i32
      %dma_start3A_123 = arith.constant 0 : i32
      %dma_start3A_124 = tpu.memref_slice %arg7[%dma_start3A_122, %dma_start3A_123] : memref<40x128xi32, #tpu.memory_space<vmem>> -> memref<39x128xi32, #tpu.memory_space<vmem>>
      %dma_start3A_125 = arith.constant 0 : i32
      %dma_start3A_126 = tpu.memref_slice %arg2[%run_scoped3A_35, %add3A_5, %dma_start3A_125] : memref<2x2500x128xi32, #tpu.memory_space<hbm>> -> memref<1x39x128xi32, #tpu.memory_space<hbm>>
      %dma_start3A_127 = tpu.memref_squeeze %dma_start3A_126 : memref<1x39x128xi32, #tpu.memory_space<hbm>> -> memref<39x128xi32, #tpu.memory_space<hbm>>
      tpu.enqueue_dma source(%dma_start3A_127 : memref<39x128xi32, #tpu.memory_space<hbm>>) target(%dma_start3A_124 : memref<39x128xi32, #tpu.memory_space<vmem>>) target_semaphore(%run_scoped3A_115 : memref<!tpu.dma_semaphore, #tpu.memory_space<semaphore_mem>>)
      %dma_wait3A_128 = arith.constant 0 : i32
      %dma_wait3A_129 = arith.constant 0 : i32
      %dma_wait3A_130 = tpu.memref_slice %arg7[%dma_wait3A_128, %dma_wait3A_129] : memref<40x128xi32, #tpu.memory_space<vmem>> -> memref<39x128xi32, #tpu.memory_space<vmem>>
      %dma_wait3A_131 = arith.constant 0 : i32
      %dma_wait3A_132 = tpu.memref_slice %arg2[%run_scoped3A_35, %add3A_5, %dma_wait3A_131] : memref<2x2500x128xi32, #tpu.memory_space<hbm>> -> memref<1x39x128xi32, #tpu.memory_space<hbm>>
      %dma_wait3A_133 = tpu.memref_squeeze %dma_wait3A_132 : memref<1x39x128xi32, #tpu.memory_space<hbm>> -> memref<39x128xi32, #tpu.memory_space<hbm>>
      %dma_wait3A_134 = arith.constant 0 : i32
      %dma_wait3A_135 = arith.constant 0 : i32
      %dma_wait3A_136 = tpu.memref_slice %arg7[%dma_wait3A_134, %dma_wait3A_135] : memref<40x128xi32, #tpu.memory_space<vmem>> -> memref<39x128xi32, #tpu.memory_space<vmem>>
      %dma_wait3A_137 = arith.constant 0 : i32
      %dma_wait3A_138 = tpu.memref_slice %arg2[%run_scoped3A_35, %add3A_5, %dma_wait3A_137] : memref<2x2500x128xi32, #tpu.memory_space<hbm>> -> memref<1x39x128xi32, #tpu.memory_space<hbm>>
      %dma_wait3A_139 = tpu.memref_squeeze %dma_wait3A_138 : memref<1x39x128xi32, #tpu.memory_space<hbm>> -> memref<39x128xi32, #tpu.memory_space<hbm>>
      tpu.wait_dma2 semaphore(%run_scoped3A_115 : memref<!tpu.dma_semaphore, #tpu.memory_space<semaphore_mem>>) src(%dma_wait3A_139 : memref<39x128xi32, #tpu.memory_space<hbm>>) dst(%dma_wait3A_136 : memref<39x128xi32, #tpu.memory_space<vmem>>)
      tpu.yield
    }) : () -> ()
    %dma_start3A = arith.constant 0 : i32
    %dma_start3A_36 = arith.constant 0 : i32
    %dma_start3A_37 = arith.constant 0 : i32
    %dma_start3A_38 = tpu.memref_slice %arg8[%dma_start3A_36, %dma_start3A_37] : memref<256x128xf32, #tpu.memory_space<vmem>> -> memref<128x128xf32, #tpu.memory_space<vmem>>
    %dma_start3A_39 = arith.constant 0 : i32
    %dma_start3A_40 = tpu.memref_slice %arg6[%dma_start3A, %dma_start3A_39] : memref<40x128xi32, #tpu.memory_space<vmem>> -> memref<1x128xi32, #tpu.memory_space<vmem>>
    %dma_start3A_41 = tpu.memref_squeeze %dma_start3A_40 : memref<1x128xi32, #tpu.memory_space<vmem>> -> memref<128xi32, #tpu.memory_space<vmem>>
    %dma_start3A_42 = arith.constant 0 : i32
    %dma_start3A_43 = arith.constant 0 : i32
    %dma_start3A_44 = tpu.memref_slice %arg3[%dma_start3A_42, %dma_start3A_43] : memref<10000x128xf32, #tpu.memory_space<hbm>> -> memref<10000x128xf32, #tpu.memory_space<hbm>>
    tpu.enqueue_indirect_dma source(%dma_start3A_44 : memref<10000x128xf32, #tpu.memory_space<hbm>>) target(%dma_start3A_38 : memref<128x128xf32, #tpu.memory_space<vmem>>) offsets(%dma_start3A_41 : memref<128xi32, #tpu.memory_space<vmem>>) semaphore(%arg9 : memref<!tpu.dma_semaphore, #tpu.memory_space<semaphore_mem>>)
    %scan3A_45 = arith.constant 0 : i32
    %scan3A_46 = arith.constant 0 : i32
    %scan3A_47 = arith.constant 39 : i32
    %scan3A_48 = arith.addi %scan3A_46, %scan3A_47 : i32
    %scan3A_49 = arith.constant 1 : i32
    scf.for %scan3A_115 = %scan3A_46 to %scan3A_48 step %scan3A_49  : i32 {
      %jit3A_116 = arith.constant 2 : i32
      %eq3A_117 = arith.constant 0 : i32
      %eq3A_118 = arith.cmpi eq, %jit3A_116, %eq3A_117 : i32
      %jit3A_119 = arith.constant 1 : i32
      %select_n3A_120 = arith.select %eq3A_118, %jit3A_119, %jit3A_116 : i32
      %rem3A_121 = arith.remsi %scan3A_115, %select_n3A_120 : i32
      %ne3A_122 = arith.constant 0 : i32
      %ne3A_123 = arith.cmpi ne, %rem3A_121, %ne3A_122 : i32
      %lt3A_124 = arith.constant 0 : i32
      %lt3A_125 = arith.cmpi slt, %rem3A_121, %lt3A_124 : i32
      %lt3A_126 = arith.constant 0 : i32
      %lt3A_127 = arith.cmpi slt, %select_n3A_120, %lt3A_126 : i32
      %ne3A_128 = arith.xori %lt3A_125, %lt3A_127 : i1
      %and3A_129 = arith.andi %ne3A_128, %ne3A_123 : i1
      %add3A_130 = arith.addi %rem3A_121, %select_n3A_120 : i32
      %select_n3A_131 = arith.select %and3A_129, %add3A_130, %rem3A_121 : i32
      %mul3A_132 = arith.constant 128 : i32
      %mul3A_133 = arith.muli %select_n3A_131, %mul3A_132 : i32
      %dma_wait3A_134 = arith.constant 0 : i32
      %dma_wait3A_135 = tpu.memref_slice %arg8[%mul3A_133, %dma_wait3A_134] : memref<256x128xf32, #tpu.memory_space<vmem>> -> memref<128x128xf32, #tpu.memory_space<vmem>>
      %dma_wait3A_136 = arith.constant 0 : i32
      %dma_wait3A_137 = tpu.memref_slice %arg6[%scan3A_115, %dma_wait3A_136] : memref<40x128xi32, #tpu.memory_space<vmem>> -> memref<1x128xi32, #tpu.memory_space<vmem>>
      %dma_wait3A_138 = tpu.memref_squeeze %dma_wait3A_137 : memref<1x128xi32, #tpu.memory_space<vmem>> -> memref<128xi32, #tpu.memory_space<vmem>>
      %dma_wait3A_139 = arith.constant 0 : i32
      %dma_wait3A_140 = arith.constant 0 : i32
      %dma_wait3A_141 = tpu.memref_slice %arg3[%dma_wait3A_139, %dma_wait3A_140] : memref<10000x128xf32, #tpu.memory_space<hbm>> -> memref<10000x128xf32, #tpu.memory_space<hbm>>
      tpu.wait_indirect_dma semaphore(%arg9 : memref<!tpu.dma_semaphore, #tpu.memory_space<semaphore_mem>>) src(%dma_wait3A_141 : memref<10000x128xf32, #tpu.memory_space<hbm>>) dst(%dma_wait3A_135 : memref<128x128xf32, #tpu.memory_space<vmem>>)
      %gt3A = arith.constant 0 : i32
      %gt3A_142 = arith.cmpi sgt, %scan3A_115, %gt3A : i32
      %convert_element_type3A_143 = arith.extui %gt3A_142 : i1 to i32
      %cond3A = arith.constant 0 : i32
      %cond3A_144 = arith.cmpi ne, %convert_element_type3A_143, %cond3A : i32
      scf.if %cond3A_144 {
        %sub3A_158 = arith.constant 1 : i32
        %sub3A_159 = arith.subi %scan3A_115, %sub3A_158 : i32
        %jit3A_160 = arith.constant 2 : i32
        %eq3A_161 = arith.constant 0 : i32
        %eq3A_162 = arith.cmpi eq, %jit3A_160, %eq3A_161 : i32
        %jit3A_163 = arith.constant 1 : i32
        %select_n3A_164 = arith.select %eq3A_162, %jit3A_163, %jit3A_160 : i32
        %rem3A_165 = arith.remsi %sub3A_159, %select_n3A_164 : i32
        %ne3A_166 = arith.constant 0 : i32
        %ne3A_167 = arith.cmpi ne, %rem3A_165, %ne3A_166 : i32
        %lt3A_168 = arith.constant 0 : i32
        %lt3A_169 = arith.cmpi slt, %rem3A_165, %lt3A_168 : i32
        %lt3A_170 = arith.constant 0 : i32
        %lt3A_171 = arith.cmpi slt, %select_n3A_164, %lt3A_170 : i32
        %ne3A_172 = arith.xori %lt3A_169, %lt3A_171 : i1
        %and3A_173 = arith.andi %ne3A_172, %ne3A_167 : i1
        %add3A_174 = arith.addi %rem3A_165, %select_n3A_164 : i32
        %select_n3A_175 = arith.select %and3A_173, %add3A_174, %rem3A_165 : i32
        %mul3A_176 = arith.constant 128 : i32
        %mul3A_177 = arith.muli %select_n3A_175, %mul3A_176 : i32
        %sub3A_178 = arith.constant 1 : i32
        %sub3A_179 = arith.subi %scan3A_115, %sub3A_178 : i32
        %dma_wait3A_180 = arith.constant 0 : i32
        %dma_wait3A_181 = tpu.memref_slice %arg8[%mul3A_177, %dma_wait3A_180] : memref<256x128xf32, #tpu.memory_space<vmem>> -> memref<128x128xf32, #tpu.memory_space<vmem>>
        %dma_wait3A_182 = arith.constant 0 : i32
        %dma_wait3A_183 = tpu.memref_slice %arg7[%sub3A_179, %dma_wait3A_182] : memref<40x128xi32, #tpu.memory_space<vmem>> -> memref<1x128xi32, #tpu.memory_space<vmem>>
        %dma_wait3A_184 = tpu.memref_squeeze %dma_wait3A_183 : memref<1x128xi32, #tpu.memory_space<vmem>> -> memref<128xi32, #tpu.memory_space<vmem>>
        %dma_wait3A_185 = arith.constant 0 : i32
        %dma_wait3A_186 = arith.constant 0 : i32
        %dma_wait3A_187 = tpu.memref_slice %arg5[%dma_wait3A_185, %dma_wait3A_186] : memref<10000x128xf32, #tpu.memory_space<vmem_shared>> -> memref<10000x128xf32, #tpu.memory_space<vmem_shared>>
        tpu.wait_indirect_dma semaphore(%arg10 : memref<!tpu.dma_semaphore, #tpu.memory_space<semaphore_mem>>) src(%dma_wait3A_181 : memref<128x128xf32, #tpu.memory_space<vmem>>) dst(%dma_wait3A_187 : memref<10000x128xf32, #tpu.memory_space<vmem_shared>>)
      } else {
      }
      %lt3A_145 = arith.constant 38 : i32
      %lt3A_146 = arith.cmpi slt, %scan3A_115, %lt3A_145 : i32
      %convert_element_type3A_147 = arith.extui %lt3A_146 : i1 to i32
      %cond3A_148 = arith.constant 0 : i32
      %cond3A_149 = arith.cmpi ne, %convert_element_type3A_147, %cond3A_148 : i32
      scf.if %cond3A_149 {
        %add3A_158 = arith.constant 1 : i32
        %add3A_159 = arith.addi %scan3A_115, %add3A_158 : i32
        %jit3A_160 = arith.constant 2 : i32
        %eq3A_161 = arith.constant 0 : i32
        %eq3A_162 = arith.cmpi eq, %jit3A_160, %eq3A_161 : i32
        %jit3A_163 = arith.constant 1 : i32
        %select_n3A_164 = arith.select %eq3A_162, %jit3A_163, %jit3A_160 : i32
        %rem3A_165 = arith.remsi %add3A_159, %select_n3A_164 : i32
        %ne3A_166 = arith.constant 0 : i32
        %ne3A_167 = arith.cmpi ne, %rem3A_165, %ne3A_166 : i32
        %lt3A_168 = arith.constant 0 : i32
        %lt3A_169 = arith.cmpi slt, %rem3A_165, %lt3A_168 : i32
        %lt3A_170 = arith.constant 0 : i32
        %lt3A_171 = arith.cmpi slt, %select_n3A_164, %lt3A_170 : i32
        %ne3A_172 = arith.xori %lt3A_169, %lt3A_171 : i1
        %and3A_173 = arith.andi %ne3A_172, %ne3A_167 : i1
        %add3A_174 = arith.addi %rem3A_165, %select_n3A_164 : i32
        %select_n3A_175 = arith.select %and3A_173, %add3A_174, %rem3A_165 : i32
        %mul3A_176 = arith.constant 128 : i32
        %mul3A_177 = arith.muli %select_n3A_175, %mul3A_176 : i32
        %add3A_178 = arith.constant 1 : i32
        %add3A_179 = arith.addi %scan3A_115, %add3A_178 : i32
        %dma_start3A_180 = arith.constant 0 : i32
        %dma_start3A_181 = tpu.memref_slice %arg8[%mul3A_177, %dma_start3A_180] : memref<256x128xf32, #tpu.memory_space<vmem>> -> memref<128x128xf32, #tpu.memory_space<vmem>>
        %dma_start3A_182 = arith.constant 0 : i32
        %dma_start3A_183 = tpu.memref_slice %arg6[%add3A_179, %dma_start3A_182] : memref<40x128xi32, #tpu.memory_space<vmem>> -> memref<1x128xi32, #tpu.memory_space<vmem>>
        %dma_start3A_184 = tpu.memref_squeeze %dma_start3A_183 : memref<1x128xi32, #tpu.memory_space<vmem>> -> memref<128xi32, #tpu.memory_space<vmem>>
        %dma_start3A_185 = arith.constant 0 : i32
        %dma_start3A_186 = arith.constant 0 : i32
        %dma_start3A_187 = tpu.memref_slice %arg3[%dma_start3A_185, %dma_start3A_186] : memref<10000x128xf32, #tpu.memory_space<hbm>> -> memref<10000x128xf32, #tpu.memory_space<hbm>>
        tpu.enqueue_indirect_dma source(%dma_start3A_187 : memref<10000x128xf32, #tpu.memory_space<hbm>>) target(%dma_start3A_181 : memref<128x128xf32, #tpu.memory_space<vmem>>) offsets(%dma_start3A_184 : memref<128xi32, #tpu.memory_space<vmem>>) semaphore(%arg9 : memref<!tpu.dma_semaphore, #tpu.memory_space<semaphore_mem>>)
      } else {
      }
      %dma_start3A_150 = arith.constant 0 : i32
      %dma_start3A_151 = tpu.memref_slice %arg8[%mul3A_133, %dma_start3A_150] : memref<256x128xf32, #tpu.memory_space<vmem>> -> memref<128x128xf32, #tpu.memory_space<vmem>>
      %dma_start3A_152 = arith.constant 0 : i32
      %dma_start3A_153 = tpu.memref_slice %arg7[%scan3A_115, %dma_start3A_152] : memref<40x128xi32, #tpu.memory_space<vmem>> -> memref<1x128xi32, #tpu.memory_space<vmem>>
      %dma_start3A_154 = tpu.memref_squeeze %dma_start3A_153 : memref<1x128xi32, #tpu.memory_space<vmem>> -> memref<128xi32, #tpu.memory_space<vmem>>
      %dma_start3A_155 = arith.constant 0 : i32
      %dma_start3A_156 = arith.constant 0 : i32
      %dma_start3A_157 = tpu.memref_slice %arg5[%dma_start3A_155, %dma_start3A_156] : memref<10000x128xf32, #tpu.memory_space<vmem_shared>> -> memref<10000x128xf32, #tpu.memory_space<vmem_shared>>
      tpu.enqueue_indirect_dma source(%dma_start3A_151 : memref<128x128xf32, #tpu.memory_space<vmem>>) target(%dma_start3A_157 : memref<10000x128xf32, #tpu.memory_space<vmem_shared>>) offsets(%dma_start3A_154 : memref<128xi32, #tpu.memory_space<vmem>>) semaphore(%arg10 : memref<!tpu.dma_semaphore, #tpu.memory_space<semaphore_mem>>) {add = true}
    }
    %scan3A_50 = arith.constant 39 : i32
    %dma_wait3A = arith.constant 38 : i32
    %dma_wait3A_51 = arith.constant 0 : i32
    %dma_wait3A_52 = arith.constant 0 : i32
    %dma_wait3A_53 = tpu.memref_slice %arg8[%dma_wait3A_51, %dma_wait3A_52] : memref<256x128xf32, #tpu.memory_space<vmem>> -> memref<128x128xf32, #tpu.memory_space<vmem>>
    %dma_wait3A_54 = arith.constant 0 : i32
    %dma_wait3A_55 = tpu.memref_slice %arg7[%dma_wait3A, %dma_wait3A_54] : memref<40x128xi32, #tpu.memory_space<vmem>> -> memref<1x128xi32, #tpu.memory_space<vmem>>
    %dma_wait3A_56 = tpu.memref_squeeze %dma_wait3A_55 : memref<1x128xi32, #tpu.memory_space<vmem>> -> memref<128xi32, #tpu.memory_space<vmem>>
    %dma_wait3A_57 = arith.constant 0 : i32
    %dma_wait3A_58 = arith.constant 0 : i32
    %dma_wait3A_59 = tpu.memref_slice %arg5[%dma_wait3A_57, %dma_wait3A_58] : memref<10000x128xf32, #tpu.memory_space<vmem_shared>> -> memref<10000x128xf32, #tpu.memory_space<vmem_shared>>
    tpu.wait_indirect_dma semaphore(%arg10 : memref<!tpu.dma_semaphore, #tpu.memory_space<semaphore_mem>>) src(%dma_wait3A_53 : memref<128x128xf32, #tpu.memory_space<vmem>>) dst(%dma_wait3A_59 : memref<10000x128xf32, #tpu.memory_space<vmem_shared>>)
    %add3A_60 = arith.constant 39 : i32
    %add3A_61 = arith.addi %add3A_5, %add3A_60 : i32
    %run_scoped3A_62 = arith.constant 0 : i32
    "tpu.region"() ({
      %run_scoped3A_115 = tpu.sem_alloc : memref<!tpu.dma_semaphore, #tpu.memory_space<semaphore_mem>>
      %dma_start3A_116 = arith.constant 0 : i32
      %dma_start3A_117 = tpu.memref_slice %arg2[%run_scoped3A_62, %add3A_61, %dma_start3A_116] : memref<2x2500x128xi32, #tpu.memory_space<hbm>> -> memref<1x40x128xi32, #tpu.memory_space<hbm>>
      %dma_start3A_118 = tpu.memref_squeeze %dma_start3A_117 : memref<1x40x128xi32, #tpu.memory_space<hbm>> -> memref<40x128xi32, #tpu.memory_space<hbm>>
      %dma_start3A_119 = arith.constant 0 : i32
      %dma_start3A_120 = tpu.memref_slice %arg2[%run_scoped3A_62, %add3A_61, %dma_start3A_119] : memref<2x2500x128xi32, #tpu.memory_space<hbm>> -> memref<1x40x128xi32, #tpu.memory_space<hbm>>
      %dma_start3A_121 = tpu.memref_squeeze %dma_start3A_120 : memref<1x40x128xi32, #tpu.memory_space<hbm>> -> memref<40x128xi32, #tpu.memory_space<hbm>>
      tpu.enqueue_dma source(%dma_start3A_121 : memref<40x128xi32, #tpu.memory_space<hbm>>) target(%arg6 : memref<40x128xi32, #tpu.memory_space<vmem>>) target_semaphore(%run_scoped3A_115 : memref<!tpu.dma_semaphore, #tpu.memory_space<semaphore_mem>>)
      %dma_wait3A_122 = arith.constant 0 : i32
      %dma_wait3A_123 = tpu.memref_slice %arg2[%run_scoped3A_62, %add3A_61, %dma_wait3A_122] : memref<2x2500x128xi32, #tpu.memory_space<hbm>> -> memref<1x40x128xi32, #tpu.memory_space<hbm>>
      %dma_wait3A_124 = tpu.memref_squeeze %dma_wait3A_123 : memref<1x40x128xi32, #tpu.memory_space<hbm>> -> memref<40x128xi32, #tpu.memory_space<hbm>>
      %dma_wait3A_125 = arith.constant 0 : i32
      %dma_wait3A_126 = tpu.memref_slice %arg2[%run_scoped3A_62, %add3A_61, %dma_wait3A_125] : memref<2x2500x128xi32, #tpu.memory_space<hbm>> -> memref<1x40x128xi32, #tpu.memory_space<hbm>>
      %dma_wait3A_127 = tpu.memref_squeeze %dma_wait3A_126 : memref<1x40x128xi32, #tpu.memory_space<hbm>> -> memref<40x128xi32, #tpu.memory_space<hbm>>
      tpu.wait_dma2 semaphore(%run_scoped3A_115 : memref<!tpu.dma_semaphore, #tpu.memory_space<semaphore_mem>>) src(%dma_wait3A_127 : memref<40x128xi32, #tpu.memory_space<hbm>>) dst(%arg6 : memref<40x128xi32, #tpu.memory_space<vmem>>)
      tpu.yield
    }) : () -> ()
    %add3A_63 = arith.constant 39 : i32
    %add3A_64 = arith.addi %add3A_5, %add3A_63 : i32
    %run_scoped3A_65 = arith.constant 1 : i32
    "tpu.region"() ({
      %run_scoped3A_115 = tpu.sem_alloc : memref<!tpu.dma_semaphore, #tpu.memory_space<semaphore_mem>>
      %dma_start3A_116 = arith.constant 0 : i32
      %dma_start3A_117 = tpu.memref_slice %arg2[%run_scoped3A_65, %add3A_64, %dma_start3A_116] : memref<2x2500x128xi32, #tpu.memory_space<hbm>> -> memref<1x40x128xi32, #tpu.memory_space<hbm>>
      %dma_start3A_118 = tpu.memref_squeeze %dma_start3A_117 : memref<1x40x128xi32, #tpu.memory_space<hbm>> -> memref<40x128xi32, #tpu.memory_space<hbm>>
      %dma_start3A_119 = arith.constant 0 : i32
      %dma_start3A_120 = tpu.memref_slice %arg2[%run_scoped3A_65, %add3A_64, %dma_start3A_119] : memref<2x2500x128xi32, #tpu.memory_space<hbm>> -> memref<1x40x128xi32, #tpu.memory_space<hbm>>
      %dma_start3A_121 = tpu.memref_squeeze %dma_start3A_120 : memref<1x40x128xi32, #tpu.memory_space<hbm>> -> memref<40x128xi32, #tpu.memory_space<hbm>>
      tpu.enqueue_dma source(%dma_start3A_121 : memref<40x128xi32, #tpu.memory_space<hbm>>) target(%arg7 : memref<40x128xi32, #tpu.memory_space<vmem>>) target_semaphore(%run_scoped3A_115 : memref<!tpu.dma_semaphore, #tpu.memory_space<semaphore_mem>>)
      %dma_wait3A_122 = arith.constant 0 : i32
      %dma_wait3A_123 = tpu.memref_slice %arg2[%run_scoped3A_65, %add3A_64, %dma_wait3A_122] : memref<2x2500x128xi32, #tpu.memory_space<hbm>> -> memref<1x40x128xi32, #tpu.memory_space<hbm>>
      %dma_wait3A_124 = tpu.memref_squeeze %dma_wait3A_123 : memref<1x40x128xi32, #tpu.memory_space<hbm>> -> memref<40x128xi32, #tpu.memory_space<hbm>>
      %dma_wait3A_125 = arith.constant 0 : i32
      %dma_wait3A_126 = tpu.memref_slice %arg2[%run_scoped3A_65, %add3A_64, %dma_wait3A_125] : memref<2x2500x128xi32, #tpu.memory_space<hbm>> -> memref<1x40x128xi32, #tpu.memory_space<hbm>>
      %dma_wait3A_127 = tpu.memref_squeeze %dma_wait3A_126 : memref<1x40x128xi32, #tpu.memory_space<hbm>> -> memref<40x128xi32, #tpu.memory_space<hbm>>
      tpu.wait_dma2 semaphore(%run_scoped3A_115 : memref<!tpu.dma_semaphore, #tpu.memory_space<semaphore_mem>>) src(%dma_wait3A_127 : memref<40x128xi32, #tpu.memory_space<hbm>>) dst(%arg7 : memref<40x128xi32, #tpu.memory_space<vmem>>)
      tpu.yield
    }) : () -> ()
    %sub3A_66 = arith.constant 39 : i32
    %sub3A_67 = arith.subi %add3A_8, %sub3A_66 : i32
    %dma_start3A_68 = arith.constant 0 : i32
    %dma_start3A_69 = arith.constant 0 : i32
    %dma_start3A_70 = arith.constant 0 : i32
    %dma_start3A_71 = tpu.memref_slice %arg8[%dma_start3A_69, %dma_start3A_70] : memref<256x128xf32, #tpu.memory_space<vmem>> -> memref<128x128xf32, #tpu.memory_space<vmem>>
    %dma_start3A_72 = arith.constant 0 : i32
    %dma_start3A_73 = tpu.memref_slice %arg6[%dma_start3A_68, %dma_start3A_72] : memref<40x128xi32, #tpu.memory_space<vmem>> -> memref<1x128xi32, #tpu.memory_space<vmem>>
    %dma_start3A_74 = tpu.memref_squeeze %dma_start3A_73 : memref<1x128xi32, #tpu.memory_space<vmem>> -> memref<128xi32, #tpu.memory_space<vmem>>
    %dma_start3A_75 = arith.constant 0 : i32
    %dma_start3A_76 = arith.constant 0 : i32
    %dma_start3A_77 = tpu.memref_slice %arg3[%dma_start3A_75, %dma_start3A_76] : memref<10000x128xf32, #tpu.memory_space<hbm>> -> memref<10000x128xf32, #tpu.memory_space<hbm>>
    tpu.enqueue_indirect_dma source(%dma_start3A_77 : memref<10000x128xf32, #tpu.memory_space<hbm>>) target(%dma_start3A_71 : memref<128x128xf32, #tpu.memory_space<vmem>>) offsets(%dma_start3A_74 : memref<128xi32, #tpu.memory_space<vmem>>) semaphore(%arg9 : memref<!tpu.dma_semaphore, #tpu.memory_space<semaphore_mem>>)
    %while3A = arith.constant 0 : i32
    %while3A_78 = arith.constant 0 : i32
    %while3A_79 = arith.subi %sub3A_67, %while3A_78 : i32
    %while3A_80 = arith.addi %while3A_78, %while3A_79 : i32
    %while3A_81 = arith.constant 1 : i32
    %while3A_82 = arith.divsi %while3A_79, %while3A_81 : i32
    %while3A_83 = arith.muli %while3A_82, %while3A_81 : i32
    %while3A_84 = arith.addi %while3A_78, %while3A_83 : i32
    %while3A_85 = arith.constant 1 : i32
    scf.for %while3A_115 = %while3A_78 to %while3A_84 step %while3A_85  : i32 {
      %jit3A_116 = arith.constant 2 : i32
      %eq3A_117 = arith.constant 0 : i32
      %eq3A_118 = arith.cmpi eq, %jit3A_116, %eq3A_117 : i32
      %jit3A_119 = arith.constant 1 : i32
      %select_n3A_120 = arith.select %eq3A_118, %jit3A_119, %jit3A_116 : i32
      %rem3A_121 = arith.remsi %while3A_115, %select_n3A_120 : i32
      %ne3A_122 = arith.constant 0 : i32
      %ne3A_123 = arith.cmpi ne, %rem3A_121, %ne3A_122 : i32
      %lt3A_124 = arith.constant 0 : i32
      %lt3A_125 = arith.cmpi slt, %rem3A_121, %lt3A_124 : i32
      %lt3A_126 = arith.constant 0 : i32
      %lt3A_127 = arith.cmpi slt, %select_n3A_120, %lt3A_126 : i32
      %ne3A_128 = arith.xori %lt3A_125, %lt3A_127 : i1
      %and3A_129 = arith.andi %ne3A_128, %ne3A_123 : i1
      %add3A_130 = arith.addi %rem3A_121, %select_n3A_120 : i32
      %select_n3A_131 = arith.select %and3A_129, %add3A_130, %rem3A_121 : i32
      %mul3A_132 = arith.constant 128 : i32
      %mul3A_133 = arith.muli %select_n3A_131, %mul3A_132 : i32
      %dma_wait3A_134 = arith.constant 0 : i32
      %dma_wait3A_135 = tpu.memref_slice %arg8[%mul3A_133, %dma_wait3A_134] : memref<256x128xf32, #tpu.memory_space<vmem>> -> memref<128x128xf32, #tpu.memory_space<vmem>>
      %dma_wait3A_136 = arith.constant 0 : i32
      %dma_wait3A_137 = tpu.memref_slice %arg6[%while3A_115, %dma_wait3A_136] : memref<40x128xi32, #tpu.memory_space<vmem>> -> memref<1x128xi32, #tpu.memory_space<vmem>>
      %dma_wait3A_138 = tpu.memref_squeeze %dma_wait3A_137 : memref<1x128xi32, #tpu.memory_space<vmem>> -> memref<128xi32, #tpu.memory_space<vmem>>
      %dma_wait3A_139 = arith.constant 0 : i32
      %dma_wait3A_140 = arith.constant 0 : i32
      %dma_wait3A_141 = tpu.memref_slice %arg3[%dma_wait3A_139, %dma_wait3A_140] : memref<10000x128xf32, #tpu.memory_space<hbm>> -> memref<10000x128xf32, #tpu.memory_space<hbm>>
      tpu.wait_indirect_dma semaphore(%arg9 : memref<!tpu.dma_semaphore, #tpu.memory_space<semaphore_mem>>) src(%dma_wait3A_141 : memref<10000x128xf32, #tpu.memory_space<hbm>>) dst(%dma_wait3A_135 : memref<128x128xf32, #tpu.memory_space<vmem>>)
      %gt3A = arith.constant 0 : i32
      %gt3A_142 = arith.cmpi sgt, %while3A_115, %gt3A : i32
      %convert_element_type3A_143 = arith.extui %gt3A_142 : i1 to i32
      %cond3A = arith.constant 0 : i32
      %cond3A_144 = arith.cmpi ne, %convert_element_type3A_143, %cond3A : i32
      scf.if %cond3A_144 {
        %sub3A_159 = arith.constant 1 : i32
        %sub3A_160 = arith.subi %while3A_115, %sub3A_159 : i32
        %jit3A_161 = arith.constant 2 : i32
        %eq3A_162 = arith.constant 0 : i32
        %eq3A_163 = arith.cmpi eq, %jit3A_161, %eq3A_162 : i32
        %jit3A_164 = arith.constant 1 : i32
        %select_n3A_165 = arith.select %eq3A_163, %jit3A_164, %jit3A_161 : i32
        %rem3A_166 = arith.remsi %sub3A_160, %select_n3A_165 : i32
        %ne3A_167 = arith.constant 0 : i32
        %ne3A_168 = arith.cmpi ne, %rem3A_166, %ne3A_167 : i32
        %lt3A_169 = arith.constant 0 : i32
        %lt3A_170 = arith.cmpi slt, %rem3A_166, %lt3A_169 : i32
        %lt3A_171 = arith.constant 0 : i32
        %lt3A_172 = arith.cmpi slt, %select_n3A_165, %lt3A_171 : i32
        %ne3A_173 = arith.xori %lt3A_170, %lt3A_172 : i1
        %and3A_174 = arith.andi %ne3A_173, %ne3A_168 : i1
        %add3A_175 = arith.addi %rem3A_166, %select_n3A_165 : i32
        %select_n3A_176 = arith.select %and3A_174, %add3A_175, %rem3A_166 : i32
        %mul3A_177 = arith.constant 128 : i32
        %mul3A_178 = arith.muli %select_n3A_176, %mul3A_177 : i32
        %sub3A_179 = arith.constant 1 : i32
        %sub3A_180 = arith.subi %while3A_115, %sub3A_179 : i32
        %dma_wait3A_181 = arith.constant 0 : i32
        %dma_wait3A_182 = tpu.memref_slice %arg8[%mul3A_178, %dma_wait3A_181] : memref<256x128xf32, #tpu.memory_space<vmem>> -> memref<128x128xf32, #tpu.memory_space<vmem>>
        %dma_wait3A_183 = arith.constant 0 : i32
        %dma_wait3A_184 = tpu.memref_slice %arg7[%sub3A_180, %dma_wait3A_183] : memref<40x128xi32, #tpu.memory_space<vmem>> -> memref<1x128xi32, #tpu.memory_space<vmem>>
        %dma_wait3A_185 = tpu.memref_squeeze %dma_wait3A_184 : memref<1x128xi32, #tpu.memory_space<vmem>> -> memref<128xi32, #tpu.memory_space<vmem>>
        %dma_wait3A_186 = arith.constant 0 : i32
        %dma_wait3A_187 = arith.constant 0 : i32
        %dma_wait3A_188 = tpu.memref_slice %arg5[%dma_wait3A_186, %dma_wait3A_187] : memref<10000x128xf32, #tpu.memory_space<vmem_shared>> -> memref<10000x128xf32, #tpu.memory_space<vmem_shared>>
        tpu.wait_indirect_dma semaphore(%arg10 : memref<!tpu.dma_semaphore, #tpu.memory_space<semaphore_mem>>) src(%dma_wait3A_182 : memref<128x128xf32, #tpu.memory_space<vmem>>) dst(%dma_wait3A_188 : memref<10000x128xf32, #tpu.memory_space<vmem_shared>>)
      } else {
      }
      %sub3A_145 = arith.constant 1 : i32
      %sub3A_146 = arith.subi %sub3A_67, %sub3A_145 : i32
      %lt3A_147 = arith.cmpi slt, %while3A_115, %sub3A_146 : i32
      %convert_element_type3A_148 = arith.extui %lt3A_147 : i1 to i32
      %cond3A_149 = arith.constant 0 : i32
      %cond3A_150 = arith.cmpi ne, %convert_element_type3A_148, %cond3A_149 : i32
      scf.if %cond3A_150 {
        %add3A_159 = arith.constant 1 : i32
        %add3A_160 = arith.addi %while3A_115, %add3A_159 : i32
        %jit3A_161 = arith.constant 2 : i32
        %eq3A_162 = arith.constant 0 : i32
        %eq3A_163 = arith.cmpi eq, %jit3A_161, %eq3A_162 : i32
        %jit3A_164 = arith.constant 1 : i32
        %select_n3A_165 = arith.select %eq3A_163, %jit3A_164, %jit3A_161 : i32
        %rem3A_166 = arith.remsi %add3A_160, %select_n3A_165 : i32
        %ne3A_167 = arith.constant 0 : i32
        %ne3A_168 = arith.cmpi ne, %rem3A_166, %ne3A_167 : i32
        %lt3A_169 = arith.constant 0 : i32
        %lt3A_170 = arith.cmpi slt, %rem3A_166, %lt3A_169 : i32
        %lt3A_171 = arith.constant 0 : i32
        %lt3A_172 = arith.cmpi slt, %select_n3A_165, %lt3A_171 : i32
        %ne3A_173 = arith.xori %lt3A_170, %lt3A_172 : i1
        %and3A_174 = arith.andi %ne3A_173, %ne3A_168 : i1
        %add3A_175 = arith.addi %rem3A_166, %select_n3A_165 : i32
        %select_n3A_176 = arith.select %and3A_174, %add3A_175, %rem3A_166 : i32
        %mul3A_177 = arith.constant 128 : i32
        %mul3A_178 = arith.muli %select_n3A_176, %mul3A_177 : i32
        %add3A_179 = arith.constant 1 : i32
        %add3A_180 = arith.addi %while3A_115, %add3A_179 : i32
        %dma_start3A_181 = arith.constant 0 : i32
        %dma_start3A_182 = tpu.memref_slice %arg8[%mul3A_178, %dma_start3A_181] : memref<256x128xf32, #tpu.memory_space<vmem>> -> memref<128x128xf32, #tpu.memory_space<vmem>>
        %dma_start3A_183 = arith.constant 0 : i32
        %dma_start3A_184 = tpu.memref_slice %arg6[%add3A_180, %dma_start3A_183] : memref<40x128xi32, #tpu.memory_space<vmem>> -> memref<1x128xi32, #tpu.memory_space<vmem>>
        %dma_start3A_185 = tpu.memref_squeeze %dma_start3A_184 : memref<1x128xi32, #tpu.memory_space<vmem>> -> memref<128xi32, #tpu.memory_space<vmem>>
        %dma_start3A_186 = arith.constant 0 : i32
        %dma_start3A_187 = arith.constant 0 : i32
        %dma_start3A_188 = tpu.memref_slice %arg3[%dma_start3A_186, %dma_start3A_187] : memref<10000x128xf32, #tpu.memory_space<hbm>> -> memref<10000x128xf32, #tpu.memory_space<hbm>>
        tpu.enqueue_indirect_dma source(%dma_start3A_188 : memref<10000x128xf32, #tpu.memory_space<hbm>>) target(%dma_start3A_182 : memref<128x128xf32, #tpu.memory_space<vmem>>) offsets(%dma_start3A_185 : memref<128xi32, #tpu.memory_space<vmem>>) semaphore(%arg9 : memref<!tpu.dma_semaphore, #tpu.memory_space<semaphore_mem>>)
      } else {
      }
      %dma_start3A_151 = arith.constant 0 : i32
      %dma_start3A_152 = tpu.memref_slice %arg8[%mul3A_133, %dma_start3A_151] : memref<256x128xf32, #tpu.memory_space<vmem>> -> memref<128x128xf32, #tpu.memory_space<vmem>>
      %dma_start3A_153 = arith.constant 0 : i32
      %dma_start3A_154 = tpu.memref_slice %arg7[%while3A_115, %dma_start3A_153] : memref<40x128xi32, #tpu.memory_space<vmem>> -> memref<1x128xi32, #tpu.memory_space<vmem>>
      %dma_start3A_155 = tpu.memref_squeeze %dma_start3A_154 : memref<1x128xi32, #tpu.memory_space<vmem>> -> memref<128xi32, #tpu.memory_space<vmem>>
      %dma_start3A_156 = arith.constant 0 : i32
      %dma_start3A_157 = arith.constant 0 : i32
      %dma_start3A_158 = tpu.memref_slice %arg5[%dma_start3A_156, %dma_start3A_157] : memref<10000x128xf32, #tpu.memory_space<vmem_shared>> -> memref<10000x128xf32, #tpu.memory_space<vmem_shared>>
      tpu.enqueue_indirect_dma source(%dma_start3A_152 : memref<128x128xf32, #tpu.memory_space<vmem>>) target(%dma_start3A_158 : memref<10000x128xf32, #tpu.memory_space<vmem_shared>>) offsets(%dma_start3A_155 : memref<128xi32, #tpu.memory_space<vmem>>) semaphore(%arg10 : memref<!tpu.dma_semaphore, #tpu.memory_space<semaphore_mem>>) {add = true}
    }
    %while3A_86 = arith.constant 1 : i32
    scf.for %while3A_115 = %while3A_84 to %while3A_80 step %while3A_86  : i32 {
      %jit3A_116 = arith.constant 2 : i32
      %eq3A_117 = arith.constant 0 : i32
      %eq3A_118 = arith.cmpi eq, %jit3A_116, %eq3A_117 : i32
      %jit3A_119 = arith.constant 1 : i32
      %select_n3A_120 = arith.select %eq3A_118, %jit3A_119, %jit3A_116 : i32
      %rem3A_121 = arith.remsi %while3A_115, %select_n3A_120 : i32
      %ne3A_122 = arith.constant 0 : i32
      %ne3A_123 = arith.cmpi ne, %rem3A_121, %ne3A_122 : i32
      %lt3A_124 = arith.constant 0 : i32
      %lt3A_125 = arith.cmpi slt, %rem3A_121, %lt3A_124 : i32
      %lt3A_126 = arith.constant 0 : i32
      %lt3A_127 = arith.cmpi slt, %select_n3A_120, %lt3A_126 : i32
      %ne3A_128 = arith.xori %lt3A_125, %lt3A_127 : i1
      %and3A_129 = arith.andi %ne3A_128, %ne3A_123 : i1
      %add3A_130 = arith.addi %rem3A_121, %select_n3A_120 : i32
      %select_n3A_131 = arith.select %and3A_129, %add3A_130, %rem3A_121 : i32
      %mul3A_132 = arith.constant 128 : i32
      %mul3A_133 = arith.muli %select_n3A_131, %mul3A_132 : i32
      %dma_wait3A_134 = arith.constant 0 : i32
      %dma_wait3A_135 = tpu.memref_slice %arg8[%mul3A_133, %dma_wait3A_134] : memref<256x128xf32, #tpu.memory_space<vmem>> -> memref<128x128xf32, #tpu.memory_space<vmem>>
      %dma_wait3A_136 = arith.constant 0 : i32
      %dma_wait3A_137 = tpu.memref_slice %arg6[%while3A_115, %dma_wait3A_136] : memref<40x128xi32, #tpu.memory_space<vmem>> -> memref<1x128xi32, #tpu.memory_space<vmem>>
      %dma_wait3A_138 = tpu.memref_squeeze %dma_wait3A_137 : memref<1x128xi32, #tpu.memory_space<vmem>> -> memref<128xi32, #tpu.memory_space<vmem>>
      %dma_wait3A_139 = arith.constant 0 : i32
      %dma_wait3A_140 = arith.constant 0 : i32
      %dma_wait3A_141 = tpu.memref_slice %arg3[%dma_wait3A_139, %dma_wait3A_140] : memref<10000x128xf32, #tpu.memory_space<hbm>> -> memref<10000x128xf32, #tpu.memory_space<hbm>>
      tpu.wait_indirect_dma semaphore(%arg9 : memref<!tpu.dma_semaphore, #tpu.memory_space<semaphore_mem>>) src(%dma_wait3A_141 : memref<10000x128xf32, #tpu.memory_space<hbm>>) dst(%dma_wait3A_135 : memref<128x128xf32, #tpu.memory_space<vmem>>)
      %gt3A = arith.constant 0 : i32
      %gt3A_142 = arith.cmpi sgt, %while3A_115, %gt3A : i32
      %convert_element_type3A_143 = arith.extui %gt3A_142 : i1 to i32
      %cond3A = arith.constant 0 : i32
      %cond3A_144 = arith.cmpi ne, %convert_element_type3A_143, %cond3A : i32
      scf.if %cond3A_144 {
        %sub3A_159 = arith.constant 1 : i32
        %sub3A_160 = arith.subi %while3A_115, %sub3A_159 : i32
        %jit3A_161 = arith.constant 2 : i32
        %eq3A_162 = arith.constant 0 : i32
        %eq3A_163 = arith.cmpi eq, %jit3A_161, %eq3A_162 : i32
        %jit3A_164 = arith.constant 1 : i32
        %select_n3A_165 = arith.select %eq3A_163, %jit3A_164, %jit3A_161 : i32
        %rem3A_166 = arith.remsi %sub3A_160, %select_n3A_165 : i32
        %ne3A_167 = arith.constant 0 : i32
        %ne3A_168 = arith.cmpi ne, %rem3A_166, %ne3A_167 : i32
        %lt3A_169 = arith.constant 0 : i32
        %lt3A_170 = arith.cmpi slt, %rem3A_166, %lt3A_169 : i32
        %lt3A_171 = arith.constant 0 : i32
        %lt3A_172 = arith.cmpi slt, %select_n3A_165, %lt3A_171 : i32
        %ne3A_173 = arith.xori %lt3A_170, %lt3A_172 : i1
        %and3A_174 = arith.andi %ne3A_173, %ne3A_168 : i1
        %add3A_175 = arith.addi %rem3A_166, %select_n3A_165 : i32
        %select_n3A_176 = arith.select %and3A_174, %add3A_175, %rem3A_166 : i32
        %mul3A_177 = arith.constant 128 : i32
        %mul3A_178 = arith.muli %select_n3A_176, %mul3A_177 : i32
        %sub3A_179 = arith.constant 1 : i32
        %sub3A_180 = arith.subi %while3A_115, %sub3A_179 : i32
        %dma_wait3A_181 = arith.constant 0 : i32
        %dma_wait3A_182 = tpu.memref_slice %arg8[%mul3A_178, %dma_wait3A_181] : memref<256x128xf32, #tpu.memory_space<vmem>> -> memref<128x128xf32, #tpu.memory_space<vmem>>
        %dma_wait3A_183 = arith.constant 0 : i32
        %dma_wait3A_184 = tpu.memref_slice %arg7[%sub3A_180, %dma_wait3A_183] : memref<40x128xi32, #tpu.memory_space<vmem>> -> memref<1x128xi32, #tpu.memory_space<vmem>>
        %dma_wait3A_185 = tpu.memref_squeeze %dma_wait3A_184 : memref<1x128xi32, #tpu.memory_space<vmem>> -> memref<128xi32, #tpu.memory_space<vmem>>
        %dma_wait3A_186 = arith.constant 0 : i32
        %dma_wait3A_187 = arith.constant 0 : i32
        %dma_wait3A_188 = tpu.memref_slice %arg5[%dma_wait3A_186, %dma_wait3A_187] : memref<10000x128xf32, #tpu.memory_space<vmem_shared>> -> memref<10000x128xf32, #tpu.memory_space<vmem_shared>>
        tpu.wait_indirect_dma semaphore(%arg10 : memref<!tpu.dma_semaphore, #tpu.memory_space<semaphore_mem>>) src(%dma_wait3A_182 : memref<128x128xf32, #tpu.memory_space<vmem>>) dst(%dma_wait3A_188 : memref<10000x128xf32, #tpu.memory_space<vmem_shared>>)
      } else {
      }
      %sub3A_145 = arith.constant 1 : i32
      %sub3A_146 = arith.subi %sub3A_67, %sub3A_145 : i32
      %lt3A_147 = arith.cmpi slt, %while3A_115, %sub3A_146 : i32
      %convert_element_type3A_148 = arith.extui %lt3A_147 : i1 to i32
      %cond3A_149 = arith.constant 0 : i32
      %cond3A_150 = arith.cmpi ne, %convert_element_type3A_148, %cond3A_149 : i32
      scf.if %cond3A_150 {
        %add3A_159 = arith.constant 1 : i32
        %add3A_160 = arith.addi %while3A_115, %add3A_159 : i32
        %jit3A_161 = arith.constant 2 : i32
        %eq3A_162 = arith.constant 0 : i32
        %eq3A_163 = arith.cmpi eq, %jit3A_161, %eq3A_162 : i32
        %jit3A_164 = arith.constant 1 : i32
        %select_n3A_165 = arith.select %eq3A_163, %jit3A_164, %jit3A_161 : i32
        %rem3A_166 = arith.remsi %add3A_160, %select_n3A_165 : i32
        %ne3A_167 = arith.constant 0 : i32
        %ne3A_168 = arith.cmpi ne, %rem3A_166, %ne3A_167 : i32
        %lt3A_169 = arith.constant 0 : i32
        %lt3A_170 = arith.cmpi slt, %rem3A_166, %lt3A_169 : i32
        %lt3A_171 = arith.constant 0 : i32
        %lt3A_172 = arith.cmpi slt, %select_n3A_165, %lt3A_171 : i32
        %ne3A_173 = arith.xori %lt3A_170, %lt3A_172 : i1
        %and3A_174 = arith.andi %ne3A_173, %ne3A_168 : i1
        %add3A_175 = arith.addi %rem3A_166, %select_n3A_165 : i32
        %select_n3A_176 = arith.select %and3A_174, %add3A_175, %rem3A_166 : i32
        %mul3A_177 = arith.constant 128 : i32
        %mul3A_178 = arith.muli %select_n3A_176, %mul3A_177 : i32
        %add3A_179 = arith.constant 1 : i32
        %add3A_180 = arith.addi %while3A_115, %add3A_179 : i32
        %dma_start3A_181 = arith.constant 0 : i32
        %dma_start3A_182 = tpu.memref_slice %arg8[%mul3A_178, %dma_start3A_181] : memref<256x128xf32, #tpu.memory_space<vmem>> -> memref<128x128xf32, #tpu.memory_space<vmem>>
        %dma_start3A_183 = arith.constant 0 : i32
        %dma_start3A_184 = tpu.memref_slice %arg6[%add3A_180, %dma_start3A_183] : memref<40x128xi32, #tpu.memory_space<vmem>> -> memref<1x128xi32, #tpu.memory_space<vmem>>
        %dma_start3A_185 = tpu.memref_squeeze %dma_start3A_184 : memref<1x128xi32, #tpu.memory_space<vmem>> -> memref<128xi32, #tpu.memory_space<vmem>>
        %dma_start3A_186 = arith.constant 0 : i32
        %dma_start3A_187 = arith.constant 0 : i32
        %dma_start3A_188 = tpu.memref_slice %arg3[%dma_start3A_186, %dma_start3A_187] : memref<10000x128xf32, #tpu.memory_space<hbm>> -> memref<10000x128xf32, #tpu.memory_space<hbm>>
        tpu.enqueue_indirect_dma source(%dma_start3A_188 : memref<10000x128xf32, #tpu.memory_space<hbm>>) target(%dma_start3A_182 : memref<128x128xf32, #tpu.memory_space<vmem>>) offsets(%dma_start3A_185 : memref<128xi32, #tpu.memory_space<vmem>>) semaphore(%arg9 : memref<!tpu.dma_semaphore, #tpu.memory_space<semaphore_mem>>)
      } else {
      }
      %dma_start3A_151 = arith.constant 0 : i32
      %dma_start3A_152 = tpu.memref_slice %arg8[%mul3A_133, %dma_start3A_151] : memref<256x128xf32, #tpu.memory_space<vmem>> -> memref<128x128xf32, #tpu.memory_space<vmem>>
      %dma_start3A_153 = arith.constant 0 : i32
      %dma_start3A_154 = tpu.memref_slice %arg7[%while3A_115, %dma_start3A_153] : memref<40x128xi32, #tpu.memory_space<vmem>> -> memref<1x128xi32, #tpu.memory_space<vmem>>
      %dma_start3A_155 = tpu.memref_squeeze %dma_start3A_154 : memref<1x128xi32, #tpu.memory_space<vmem>> -> memref<128xi32, #tpu.memory_space<vmem>>
      %dma_start3A_156 = arith.constant 0 : i32
      %dma_start3A_157 = arith.constant 0 : i32
      %dma_start3A_158 = tpu.memref_slice %arg5[%dma_start3A_156, %dma_start3A_157] : memref<10000x128xf32, #tpu.memory_space<vmem_shared>> -> memref<10000x128xf32, #tpu.memory_space<vmem_shared>>
      tpu.enqueue_indirect_dma source(%dma_start3A_152 : memref<128x128xf32, #tpu.memory_space<vmem>>) target(%dma_start3A_158 : memref<10000x128xf32, #tpu.memory_space<vmem_shared>>) offsets(%dma_start3A_155 : memref<128xi32, #tpu.memory_space<vmem>>) semaphore(%arg10 : memref<!tpu.dma_semaphore, #tpu.memory_space<semaphore_mem>>) {add = true}
    }
    %sub3A_87 = arith.constant 1 : i32
    %sub3A_88 = arith.subi %sub3A_67, %sub3A_87 : i32
    %jit3A = arith.constant 2 : i32
    %eq3A = arith.constant 0 : i32
    %eq3A_89 = arith.cmpi eq, %jit3A, %eq3A : i32
    %jit3A_90 = arith.constant 1 : i32
    %select_n3A = arith.select %eq3A_89, %jit3A_90, %jit3A : i32
    %rem3A = arith.remsi %sub3A_88, %select_n3A : i32
    %ne3A = arith.constant 0 : i32
    %ne3A_91 = arith.cmpi ne, %rem3A, %ne3A : i32
    %lt3A = arith.constant 0 : i32
    %lt3A_92 = arith.cmpi slt, %rem3A, %lt3A : i32
    %lt3A_93 = arith.constant 0 : i32
    %lt3A_94 = arith.cmpi slt, %select_n3A, %lt3A_93 : i32
    %ne3A_95 = arith.xori %lt3A_92, %lt3A_94 : i1
    %and3A = arith.andi %ne3A_95, %ne3A_91 : i1
    %add3A_96 = arith.addi %rem3A, %select_n3A : i32
    %select_n3A_97 = arith.select %and3A, %add3A_96, %rem3A : i32
    %mul3A_98 = arith.constant 128 : i32
    %mul3A_99 = arith.muli %select_n3A_97, %mul3A_98 : i32
    %sub3A_100 = arith.constant 1 : i32
    %sub3A_101 = arith.subi %sub3A_67, %sub3A_100 : i32
    %dma_wait3A_102 = arith.constant 0 : i32
    %dma_wait3A_103 = tpu.memref_slice %arg8[%mul3A_99, %dma_wait3A_102] : memref<256x128xf32, #tpu.memory_space<vmem>> -> memref<128x128xf32, #tpu.memory_space<vmem>>
    %dma_wait3A_104 = arith.constant 0 : i32
    %dma_wait3A_105 = tpu.memref_slice %arg7[%sub3A_101, %dma_wait3A_104] : memref<40x128xi32, #tpu.memory_space<vmem>> -> memref<1x128xi32, #tpu.memory_space<vmem>>
    %dma_wait3A_106 = tpu.memref_squeeze %dma_wait3A_105 : memref<1x128xi32, #tpu.memory_space<vmem>> -> memref<128xi32, #tpu.memory_space<vmem>>
    %dma_wait3A_107 = arith.constant 0 : i32
    %dma_wait3A_108 = arith.constant 0 : i32
    %dma_wait3A_109 = tpu.memref_slice %arg5[%dma_wait3A_107, %dma_wait3A_108] : memref<10000x128xf32, #tpu.memory_space<vmem_shared>> -> memref<10000x128xf32, #tpu.memory_space<vmem_shared>>
    tpu.wait_indirect_dma semaphore(%arg10 : memref<!tpu.dma_semaphore, #tpu.memory_space<semaphore_mem>>) src(%dma_wait3A_103 : memref<128x128xf32, #tpu.memory_space<vmem>>) dst(%dma_wait3A_109 : memref<10000x128xf32, #tpu.memory_space<vmem_shared>>)
    %barrier3A_110 = arith.constant 0 : index
    tpu.barrier barrier_id(%barrier3A_110)
    %mul3A_111 = arith.constant 625 : i32
    %mul3A_112 = arith.muli %arg1, %mul3A_111 : i32
    %mul3A_113 = arith.constant 625 : i32
    %mul3A_114 = arith.muli %arg1, %mul3A_113 : i32
    "tpu.region"() ({
      %run_scoped3A_115 = tpu.sem_alloc : memref<!tpu.dma_semaphore, #tpu.memory_space<semaphore_mem>>
      %dma_start3A_116 = arith.constant 0 : i32
      %dma_start3A_117 = tpu.memref_slice %arg4[%arg0, %mul3A_114, %dma_start3A_116] : memref<2x10000x128xf32, #tpu.memory_space<hbm>> -> memref<1x625x128xf32, #tpu.memory_space<hbm>>
      %dma_start3A_118 = tpu.memref_squeeze %dma_start3A_117 : memref<1x625x128xf32, #tpu.memory_space<hbm>> -> memref<625x128xf32, #tpu.memory_space<hbm>>
      %dma_start3A_119 = arith.constant 0 : i32
      %dma_start3A_120 = tpu.memref_slice %arg5[%mul3A_112, %dma_start3A_119] : memref<10000x128xf32, #tpu.memory_space<vmem_shared>> -> memref<625x128xf32, #tpu.memory_space<vmem_shared>>
      tpu.enqueue_dma source(%dma_start3A_120 : memref<625x128xf32, #tpu.memory_space<vmem_shared>>) target(%dma_start3A_118 : memref<625x128xf32, #tpu.memory_space<hbm>>) target_semaphore(%run_scoped3A_115 : memref<!tpu.dma_semaphore, #tpu.memory_space<semaphore_mem>>)
      %dma_wait3A_121 = arith.constant 0 : i32
      %dma_wait3A_122 = tpu.memref_slice %arg4[%arg0, %mul3A_114, %dma_wait3A_121] : memref<2x10000x128xf32, #tpu.memory_space<hbm>> -> memref<1x625x128xf32, #tpu.memory_space<hbm>>
      %dma_wait3A_123 = tpu.memref_squeeze %dma_wait3A_122 : memref<1x625x128xf32, #tpu.memory_space<hbm>> -> memref<625x128xf32, #tpu.memory_space<hbm>>
      %dma_wait3A_124 = arith.constant 0 : i32
      %dma_wait3A_125 = tpu.memref_slice %arg5[%mul3A_112, %dma_wait3A_124] : memref<10000x128xf32, #tpu.memory_space<vmem_shared>> -> memref<625x128xf32, #tpu.memory_space<vmem_shared>>
      tpu.wait_dma2 semaphore(%run_scoped3A_115 : memref<!tpu.dma_semaphore, #tpu.memory_space<semaphore_mem>>) src(%dma_wait3A_125 : memref<625x128xf32, #tpu.memory_space<vmem_shared>>) dst(%dma_wait3A_123 : memref<625x128xf32, #tpu.memory_space<hbm>>)
      tpu.yield
    }) : () -> ()
    return
  }
}

#map = affine_map<(d0, d1) -> (0, 0, 0)>
#map1 = affine_map<(d0, d1) -> (0, 0)>
module attributes {stable_mosaic.version = 14 : i64} {
  func.func @_deg_scale_body(%arg0: i32, %arg1: i32, %arg2: memref<2x2500x128xi32, #tpu.memory_space<hbm>>, %arg3: memref<10000x128xf32, #tpu.memory_space<hbm>>, %arg4: memref<10000x128xf32, #tpu.memory_space<hbm>>, %arg5: memref<10000x16xf32, #tpu.memory_space<vmem_shared>>, %arg6: memref<157x128xi32, #tpu.memory_space<vmem>>, %arg7: memref<128x16xf32, #tpu.memory_space<vmem>>, %arg8: memref<640x16xf32, #tpu.memory_space<vmem>>, %arg9: memref<313x128xf32, #tpu.memory_space<vmem>>, %arg10: memref<313x16xf32, #tpu.memory_space<vmem>>, %arg11: memref<!tpu.dma_semaphore, #tpu.memory_space<semaphore_mem>>, %arg12: memref<!tpu.dma_semaphore, #tpu.memory_space<semaphore_mem>>) attributes {dimension_semantics = [#tpu.dimension_semantics<core_parallel>, #tpu.dimension_semantics<subcore_parallel>], iteration_bounds = array<i64: 2, 16>, scalar_prefetch = 0 : i64, scratch_operands = 8 : i64, tpu.core_type = #tpu.core_type<sc_vector_subcore>, window_params = [{transform_indices = #map}, {transform_indices = #map1}, {transform_indices = #map1}]} {
    %mul3A = arith.constant 16 : i32
    %mul3A_0 = arith.muli %arg0, %mul3A : i32
    %add3A = arith.addi %mul3A_0, %arg1 : i32
    %mul3A_1 = arith.constant 156 : i32
    %mul3A_2 = arith.muli %mul3A_1, %arg1 : i32
    %sub3A = arith.constant 12 : i32
    %sub3A_3 = arith.subi %arg1, %sub3A : i32
    %max3A = arith.constant 0 : i32
    %max3A_4 = arith.maxsi %sub3A_3, %max3A : i32
    %add3A_5 = arith.addi %mul3A_2, %max3A_4 : i32
    %ge3A = arith.constant 12 : i32
    %ge3A_6 = arith.cmpi sge, %arg1, %ge3A : i32
    %convert_element_type3A = arith.extui %ge3A_6 : i1 to i32
    %add3A_7 = arith.constant 156 : i32
    %add3A_8 = arith.addi %add3A_7, %convert_element_type3A : i32
    %mul3A_9 = arith.constant 312 : i32
    %mul3A_10 = arith.muli %mul3A_9, %add3A : i32
    %sub3A_11 = arith.constant 16 : i32
    %sub3A_12 = arith.subi %add3A, %sub3A_11 : i32
    %max3A_13 = arith.constant 0 : i32
    %max3A_14 = arith.maxsi %sub3A_12, %max3A_13 : i32
    %add3A_15 = arith.addi %mul3A_10, %max3A_14 : i32
    %broadcast_in_dim3A = arith.constant 0.000000e+00 : f32
    %broadcast_in_dim3A_16 = vector.broadcast %broadcast_in_dim3A : f32 to vector<16xf32>
    %broadcast_in_dim3A_17 = arith.constant 1.000000e+00 : f32
    %broadcast_in_dim3A_18 = vector.broadcast %broadcast_in_dim3A_17 : f32 to vector<16xf32>
    %dma_start3A = arith.constant 0 : i32
    %dma_start3A_19 = tpu.memref_slice %arg3[%add3A_15, %dma_start3A] : memref<10000x128xf32, #tpu.memory_space<hbm>> -> memref<313x128xf32, #tpu.memory_space<hbm>>
    %dma_start3A_20 = arith.constant 0 : i32
    %dma_start3A_21 = tpu.memref_slice %arg3[%add3A_15, %dma_start3A_20] : memref<10000x128xf32, #tpu.memory_space<hbm>> -> memref<313x128xf32, #tpu.memory_space<hbm>>
    tpu.enqueue_dma source(%dma_start3A_21 : memref<313x128xf32, #tpu.memory_space<hbm>>) target(%arg9 : memref<313x128xf32, #tpu.memory_space<vmem>>) target_semaphore(%arg12 : memref<!tpu.dma_semaphore, #tpu.memory_space<semaphore_mem>>)
    %scan3A = arith.constant 0 : i32
    %scan3A_22 = arith.constant 0 : i32
    %scan3A_23 = arith.constant 128 : i32
    %scan3A_24 = arith.addi %scan3A_22, %scan3A_23 : i32
    %scan3A_25 = arith.constant 1 : i32
    scf.for %scan3A_58 = %scan3A_22 to %scan3A_24 step %scan3A_25  : i32 {
      %swap3A = arith.index_cast %scan3A_58 : i32 to index
      %swap3A_59 = arith.constant 0 : index
      %swap3A_60 = tpu.vector_load %arg7[%swap3A, %swap3A_59] {strides = array<i32>} : memref<128x16xf32, #tpu.memory_space<vmem>>, vector<1x16xf32>,
      %swap3A_61 = vector.shape_cast %swap3A_60 : vector<1x16xf32> to vector<16xf32>
      %swap3A_62 = vector.shape_cast %broadcast_in_dim3A_18 : vector<16xf32> to vector<1x16xf32>
      tpu.vector_store %arg7[%swap3A, %swap3A_59], %swap3A_62 {strides = array<i32>} : memref<128x16xf32, #tpu.memory_space<vmem>>, vector<1x16xf32>,
      %add3A_63 = arith.constant 0 : i32
      %add3A_64 = arith.addi %scan3A_58, %add3A_63 : i32
      %swap3A_65 = arith.index_cast %add3A_64 : i32 to index
      %swap3A_66 = arith.constant 0 : index
      %swap3A_67 = tpu.vector_load %arg8[%swap3A_65, %swap3A_66] {strides = array<i32>} : memref<640x16xf32, #tpu.memory_space<vmem>>, vector<1x16xf32>,
      %swap3A_68 = vector.shape_cast %swap3A_67 : vector<1x16xf32> to vector<16xf32>
      %swap3A_69 = vector.shape_cast %broadcast_in_dim3A_16 : vector<16xf32> to vector<1x16xf32>
      tpu.vector_store %arg8[%swap3A_65, %swap3A_66], %swap3A_69 {strides = array<i32>} : memref<640x16xf32, #tpu.memory_space<vmem>>, vector<1x16xf32>,
      %add3A_70 = arith.constant 128 : i32
      %add3A_71 = arith.addi %scan3A_58, %add3A_70 : i32
      %swap3A_72 = arith.index_cast %add3A_71 : i32 to index
      %swap3A_73 = arith.constant 0 : index
      %swap3A_74 = tpu.vector_load %arg8[%swap3A_72, %swap3A_73] {strides = array<i32>} : memref<640x16xf32, #tpu.memory_space<vmem>>, vector<1x16xf32>,
      %swap3A_75 = vector.shape_cast %swap3A_74 : vector<1x16xf32> to vector<16xf32>
      %swap3A_76 = vector.shape_cast %broadcast_in_dim3A_16 : vector<16xf32> to vector<1x16xf32>
      tpu.vector_store %arg8[%swap3A_72, %swap3A_73], %swap3A_76 {strides = array<i32>} : memref<640x16xf32, #tpu.memory_space<vmem>>, vector<1x16xf32>,
      %add3A_77 = arith.constant 256 : i32
      %add3A_78 = arith.addi %scan3A_58, %add3A_77 : i32
      %swap3A_79 = arith.index_cast %add3A_78 : i32 to index
      %swap3A_80 = arith.constant 0 : index
      %swap3A_81 = tpu.vector_load %arg8[%swap3A_79, %swap3A_80] {strides = array<i32>} : memref<640x16xf32, #tpu.memory_space<vmem>>, vector<1x16xf32>,
      %swap3A_82 = vector.shape_cast %swap3A_81 : vector<1x16xf32> to vector<16xf32>
      %swap3A_83 = vector.shape_cast %broadcast_in_dim3A_16 : vector<16xf32> to vector<1x16xf32>
      tpu.vector_store %arg8[%swap3A_79, %swap3A_80], %swap3A_83 {strides = array<i32>} : memref<640x16xf32, #tpu.memory_space<vmem>>, vector<1x16xf32>,
      %add3A_84 = arith.constant 384 : i32
      %add3A_85 = arith.addi %scan3A_58, %add3A_84 : i32
      %swap3A_86 = arith.index_cast %add3A_85 : i32 to index
      %swap3A_87 = arith.constant 0 : index
      %swap3A_88 = tpu.vector_load %arg8[%swap3A_86, %swap3A_87] {strides = array<i32>} : memref<640x16xf32, #tpu.memory_space<vmem>>, vector<1x16xf32>,
      %swap3A_89 = vector.shape_cast %swap3A_88 : vector<1x16xf32> to vector<16xf32>
      %swap3A_90 = vector.shape_cast %broadcast_in_dim3A_16 : vector<16xf32> to vector<1x16xf32>
      tpu.vector_store %arg8[%swap3A_86, %swap3A_87], %swap3A_90 {strides = array<i32>} : memref<640x16xf32, #tpu.memory_space<vmem>>, vector<1x16xf32>,
      %add3A_91 = arith.constant 512 : i32
      %add3A_92 = arith.addi %scan3A_58, %add3A_91 : i32
      %swap3A_93 = arith.index_cast %add3A_92 : i32 to index
      %swap3A_94 = arith.constant 0 : index
      %swap3A_95 = tpu.vector_load %arg8[%swap3A_93, %swap3A_94] {strides = array<i32>} : memref<640x16xf32, #tpu.memory_space<vmem>>, vector<1x16xf32>,
      %swap3A_96 = vector.shape_cast %swap3A_95 : vector<1x16xf32> to vector<16xf32>
      %swap3A_97 = vector.shape_cast %broadcast_in_dim3A_16 : vector<16xf32> to vector<1x16xf32>
      tpu.vector_store %arg8[%swap3A_93, %swap3A_94], %swap3A_97 {strides = array<i32>} : memref<640x16xf32, #tpu.memory_space<vmem>>, vector<1x16xf32>,
    }
    %scan3A_26 = arith.constant 128 : i32
    %mul3A_27 = arith.constant 625 : i32
    %mul3A_28 = arith.muli %arg1, %mul3A_27 : i32
    "tpu.region"() ({
      %run_scoped3A_58 = tpu.sem_alloc : memref<!tpu.dma_semaphore, #tpu.memory_space<semaphore_mem>>
      %dma_start3A_59 = arith.constant 0 : i32
      %dma_start3A_60 = arith.constant 0 : i32
      %dma_start3A_61 = tpu.memref_slice %arg8[%dma_start3A_59, %dma_start3A_60] : memref<640x16xf32, #tpu.memory_space<vmem>> -> memref<625x16xf32, #tpu.memory_space<vmem>>
      %dma_start3A_62 = arith.constant 0 : i32
      %dma_start3A_63 = tpu.memref_slice %arg5[%mul3A_28, %dma_start3A_62] : memref<10000x16xf32, #tpu.memory_space<vmem_shared>> -> memref<625x16xf32, #tpu.memory_space<vmem_shared>>
      %dma_start3A_64 = arith.constant 0 : i32
      %dma_start3A_65 = tpu.memref_slice %arg5[%mul3A_28, %dma_start3A_64] : memref<10000x16xf32, #tpu.memory_space<vmem_shared>> -> memref<625x16xf32, #tpu.memory_space<vmem_shared>>
      %dma_start3A_66 = arith.constant 0 : i32
      %dma_start3A_67 = arith.constant 0 : i32
      %dma_start3A_68 = tpu.memref_slice %arg8[%dma_start3A_66, %dma_start3A_67] : memref<640x16xf32, #tpu.memory_space<vmem>> -> memref<625x16xf32, #tpu.memory_space<vmem>>
      tpu.enqueue_dma source(%dma_start3A_68 : memref<625x16xf32, #tpu.memory_space<vmem>>) target(%dma_start3A_65 : memref<625x16xf32, #tpu.memory_space<vmem_shared>>) target_semaphore(%run_scoped3A_58 : memref<!tpu.dma_semaphore, #tpu.memory_space<semaphore_mem>>)
      %dma_wait3A_69 = arith.constant 0 : i32
      %dma_wait3A_70 = arith.constant 0 : i32
      %dma_wait3A_71 = tpu.memref_slice %arg8[%dma_wait3A_69, %dma_wait3A_70] : memref<640x16xf32, #tpu.memory_space<vmem>> -> memref<625x16xf32, #tpu.memory_space<vmem>>
      %dma_wait3A_72 = arith.constant 0 : i32
      %dma_wait3A_73 = tpu.memref_slice %arg5[%mul3A_28, %dma_wait3A_72] : memref<10000x16xf32, #tpu.memory_space<vmem_shared>> -> memref<625x16xf32, #tpu.memory_space<vmem_shared>>
      %dma_wait3A_74 = arith.constant 0 : i32
      %dma_wait3A_75 = tpu.memref_slice %arg5[%mul3A_28, %dma_wait3A_74] : memref<10000x16xf32, #tpu.memory_space<vmem_shared>> -> memref<625x16xf32, #tpu.memory_space<vmem_shared>>
      %dma_wait3A_76 = arith.constant 0 : i32
      %dma_wait3A_77 = arith.constant 0 : i32
      %dma_wait3A_78 = tpu.memref_slice %arg8[%dma_wait3A_76, %dma_wait3A_77] : memref<640x16xf32, #tpu.memory_space<vmem>> -> memref<625x16xf32, #tpu.memory_space<vmem>>
      tpu.wait_dma2 semaphore(%run_scoped3A_58 : memref<!tpu.dma_semaphore, #tpu.memory_space<semaphore_mem>>) src(%dma_wait3A_78 : memref<625x16xf32, #tpu.memory_space<vmem>>) dst(%dma_wait3A_75 : memref<625x16xf32, #tpu.memory_space<vmem_shared>>)
      tpu.yield
    }) : () -> ()
    %run_scoped3A = arith.constant 0 : i32
    "tpu.region"() ({
      %run_scoped3A_58 = tpu.sem_alloc : memref<!tpu.dma_semaphore, #tpu.memory_space<semaphore_mem>>
      %dma_start3A_59 = arith.constant 0 : i32
      %dma_start3A_60 = tpu.memref_slice %arg2[%run_scoped3A, %add3A_5, %dma_start3A_59] : memref<2x2500x128xi32, #tpu.memory_space<hbm>> -> memref<1x157x128xi32, #tpu.memory_space<hbm>>
      %dma_start3A_61 = tpu.memref_squeeze %dma_start3A_60 : memref<1x157x128xi32, #tpu.memory_space<hbm>> -> memref<157x128xi32, #tpu.memory_space<hbm>>
      %dma_start3A_62 = arith.constant 0 : i32
      %dma_start3A_63 = tpu.memref_slice %arg2[%run_scoped3A, %add3A_5, %dma_start3A_62] : memref<2x2500x128xi32, #tpu.memory_space<hbm>> -> memref<1x157x128xi32, #tpu.memory_space<hbm>>
      %dma_start3A_64 = tpu.memref_squeeze %dma_start3A_63 : memref<1x157x128xi32, #tpu.memory_space<hbm>> -> memref<157x128xi32, #tpu.memory_space<hbm>>
      tpu.enqueue_dma source(%dma_start3A_64 : memref<157x128xi32, #tpu.memory_space<hbm>>) target(%arg6 : memref<157x128xi32, #tpu.memory_space<vmem>>) target_semaphore(%run_scoped3A_58 : memref<!tpu.dma_semaphore, #tpu.memory_space<semaphore_mem>>)
      %dma_wait3A_65 = arith.constant 0 : i32
      %dma_wait3A_66 = tpu.memref_slice %arg2[%run_scoped3A, %add3A_5, %dma_wait3A_65] : memref<2x2500x128xi32, #tpu.memory_space<hbm>> -> memref<1x157x128xi32, #tpu.memory_space<hbm>>
      %dma_wait3A_67 = tpu.memref_squeeze %dma_wait3A_66 : memref<1x157x128xi32, #tpu.memory_space<hbm>> -> memref<157x128xi32, #tpu.memory_space<hbm>>
      %dma_wait3A_68 = arith.constant 0 : i32
      %dma_wait3A_69 = tpu.memref_slice %arg2[%run_scoped3A, %add3A_5, %dma_wait3A_68] : memref<2x2500x128xi32, #tpu.memory_space<hbm>> -> memref<1x157x128xi32, #tpu.memory_space<hbm>>
      %dma_wait3A_70 = tpu.memref_squeeze %dma_wait3A_69 : memref<1x157x128xi32, #tpu.memory_space<hbm>> -> memref<157x128xi32, #tpu.memory_space<hbm>>
      tpu.wait_dma2 semaphore(%run_scoped3A_58 : memref<!tpu.dma_semaphore, #tpu.memory_space<semaphore_mem>>) src(%dma_wait3A_70 : memref<157x128xi32, #tpu.memory_space<hbm>>) dst(%arg6 : memref<157x128xi32, #tpu.memory_space<vmem>>)
      tpu.yield
    }) : () -> ()
    %barrier3A = arith.constant 0 : index
    tpu.barrier barrier_id(%barrier3A)
    %while3A = arith.constant 0 : i32
    %while3A_29 = arith.constant 0 : i32
    %while3A_30 = arith.subi %add3A_8, %while3A_29 : i32
    %while3A_31 = arith.addi %while3A_29, %while3A_30 : i32
    %while3A_32 = arith.constant 1 : i32
    %while3A_33 = arith.divsi %while3A_30, %while3A_32 : i32
    %while3A_34 = arith.muli %while3A_33, %while3A_32 : i32
    %while3A_35 = arith.addi %while3A_29, %while3A_34 : i32
    %while3A_36 = arith.constant 1 : i32
    scf.for %while3A_58 = %while3A_29 to %while3A_35 step %while3A_36  : i32 {
      %dma_start3A_59 = arith.constant 0 : i32
      %dma_start3A_60 = tpu.memref_slice %arg6[%while3A_58, %dma_start3A_59] : memref<157x128xi32, #tpu.memory_space<vmem>> -> memref<1x128xi32, #tpu.memory_space<vmem>>
      %dma_start3A_61 = tpu.memref_squeeze %dma_start3A_60 : memref<1x128xi32, #tpu.memory_space<vmem>> -> memref<128xi32, #tpu.memory_space<vmem>>
      %dma_start3A_62 = arith.constant 0 : i32
      %dma_start3A_63 = arith.constant 0 : i32
      %dma_start3A_64 = tpu.memref_slice %arg5[%dma_start3A_62, %dma_start3A_63] : memref<10000x16xf32, #tpu.memory_space<vmem_shared>> -> memref<10000x16xf32, #tpu.memory_space<vmem_shared>>
      tpu.enqueue_indirect_dma source(%arg7 : memref<128x16xf32, #tpu.memory_space<vmem>>) target(%dma_start3A_64 : memref<10000x16xf32, #tpu.memory_space<vmem_shared>>) offsets(%dma_start3A_61 : memref<128xi32, #tpu.memory_space<vmem>>) semaphore(%arg11 : memref<!tpu.dma_semaphore, #tpu.memory_space<semaphore_mem>>) {add = true}
    }
    %while3A_37 = arith.constant 1 : i32
    scf.for %while3A_58 = %while3A_35 to %while3A_31 step %while3A_37  : i32 {
      %dma_start3A_59 = arith.constant 0 : i32
      %dma_start3A_60 = tpu.memref_slice %arg6[%while3A_58, %dma_start3A_59] : memref<157x128xi32, #tpu.memory_space<vmem>> -> memref<1x128xi32, #tpu.memory_space<vmem>>
      %dma_start3A_61 = tpu.memref_squeeze %dma_start3A_60 : memref<1x128xi32, #tpu.memory_space<vmem>> -> memref<128xi32, #tpu.memory_space<vmem>>
      %dma_start3A_62 = arith.constant 0 : i32
      %dma_start3A_63 = arith.constant 0 : i32
      %dma_start3A_64 = tpu.memref_slice %arg5[%dma_start3A_62, %dma_start3A_63] : memref<10000x16xf32, #tpu.memory_space<vmem_shared>> -> memref<10000x16xf32, #tpu.memory_space<vmem_shared>>
      tpu.enqueue_indirect_dma source(%arg7 : memref<128x16xf32, #tpu.memory_space<vmem>>) target(%dma_start3A_64 : memref<10000x16xf32, #tpu.memory_space<vmem_shared>>) offsets(%dma_start3A_61 : memref<128xi32, #tpu.memory_space<vmem>>) semaphore(%arg11 : memref<!tpu.dma_semaphore, #tpu.memory_space<semaphore_mem>>) {add = true}
    }
    %while3A_38 = arith.constant 0 : i32
    %while3A_39 = arith.constant 0 : i32
    %while3A_40 = arith.subi %add3A_8, %while3A_39 : i32
    %while3A_41 = arith.addi %while3A_39, %while3A_40 : i32
    %while3A_42 = arith.constant 1 : i32
    %while3A_43 = arith.divsi %while3A_40, %while3A_42 : i32
    %while3A_44 = arith.muli %while3A_43, %while3A_42 : i32
    %while3A_45 = arith.addi %while3A_39, %while3A_44 : i32
    %while3A_46 = arith.constant 1 : i32
    scf.for %while3A_58 = %while3A_39 to %while3A_45 step %while3A_46  : i32 {
      %dma_wait3A_59 = arith.constant 0 : i32
      %dma_wait3A_60 = tpu.memref_slice %arg6[%while3A_58, %dma_wait3A_59] : memref<157x128xi32, #tpu.memory_space<vmem>> -> memref<1x128xi32, #tpu.memory_space<vmem>>
      %dma_wait3A_61 = tpu.memref_squeeze %dma_wait3A_60 : memref<1x128xi32, #tpu.memory_space<vmem>> -> memref<128xi32, #tpu.memory_space<vmem>>
      %dma_wait3A_62 = arith.constant 0 : i32
      %dma_wait3A_63 = arith.constant 0 : i32
      %dma_wait3A_64 = tpu.memref_slice %arg5[%dma_wait3A_62, %dma_wait3A_63] : memref<10000x16xf32, #tpu.memory_space<vmem_shared>> -> memref<10000x16xf32, #tpu.memory_space<vmem_shared>>
      tpu.wait_indirect_dma semaphore(%arg11 : memref<!tpu.dma_semaphore, #tpu.memory_space<semaphore_mem>>) src(%arg7 : memref<128x16xf32, #tpu.memory_space<vmem>>) dst(%dma_wait3A_64 : memref<10000x16xf32, #tpu.memory_space<vmem_shared>>)
    }
    %while3A_47 = arith.constant 1 : i32
    scf.for %while3A_58 = %while3A_45 to %while3A_41 step %while3A_47  : i32 {
      %dma_wait3A_59 = arith.constant 0 : i32
      %dma_wait3A_60 = tpu.memref_slice %arg6[%while3A_58, %dma_wait3A_59] : memref<157x128xi32, #tpu.memory_space<vmem>> -> memref<1x128xi32, #tpu.memory_space<vmem>>
      %dma_wait3A_61 = tpu.memref_squeeze %dma_wait3A_60 : memref<1x128xi32, #tpu.memory_space<vmem>> -> memref<128xi32, #tpu.memory_space<vmem>>
      %dma_wait3A_62 = arith.constant 0 : i32
      %dma_wait3A_63 = arith.constant 0 : i32
      %dma_wait3A_64 = tpu.memref_slice %arg5[%dma_wait3A_62, %dma_wait3A_63] : memref<10000x16xf32, #tpu.memory_space<vmem_shared>> -> memref<10000x16xf32, #tpu.memory_space<vmem_shared>>
      tpu.wait_indirect_dma semaphore(%arg11 : memref<!tpu.dma_semaphore, #tpu.memory_space<semaphore_mem>>) src(%arg7 : memref<128x16xf32, #tpu.memory_space<vmem>>) dst(%dma_wait3A_64 : memref<10000x16xf32, #tpu.memory_space<vmem_shared>>)
    }
    %barrier3A_48 = arith.constant 0 : index
    tpu.barrier barrier_id(%barrier3A_48)
    "tpu.region"() ({
      %run_scoped3A_58 = tpu.sem_alloc : memref<!tpu.dma_semaphore, #tpu.memory_space<semaphore_mem>>
      %dma_start3A_59 = arith.constant 0 : i32
      %dma_start3A_60 = tpu.memref_slice %arg5[%add3A_15, %dma_start3A_59] : memref<10000x16xf32, #tpu.memory_space<vmem_shared>> -> memref<313x16xf32, #tpu.memory_space<vmem_shared>>
      %dma_start3A_61 = arith.constant 0 : i32
      %dma_start3A_62 = tpu.memref_slice %arg5[%add3A_15, %dma_start3A_61] : memref<10000x16xf32, #tpu.memory_space<vmem_shared>> -> memref<313x16xf32, #tpu.memory_space<vmem_shared>>
      tpu.enqueue_dma source(%dma_start3A_62 : memref<313x16xf32, #tpu.memory_space<vmem_shared>>) target(%arg10 : memref<313x16xf32, #tpu.memory_space<vmem>>) target_semaphore(%run_scoped3A_58 : memref<!tpu.dma_semaphore, #tpu.memory_space<semaphore_mem>>)
      %dma_wait3A_63 = arith.constant 0 : i32
      %dma_wait3A_64 = tpu.memref_slice %arg5[%add3A_15, %dma_wait3A_63] : memref<10000x16xf32, #tpu.memory_space<vmem_shared>> -> memref<313x16xf32, #tpu.memory_space<vmem_shared>>
      %dma_wait3A_65 = arith.constant 0 : i32
      %dma_wait3A_66 = tpu.memref_slice %arg5[%add3A_15, %dma_wait3A_65] : memref<10000x16xf32, #tpu.memory_space<vmem_shared>> -> memref<313x16xf32, #tpu.memory_space<vmem_shared>>
      tpu.wait_dma2 semaphore(%run_scoped3A_58 : memref<!tpu.dma_semaphore, #tpu.memory_space<semaphore_mem>>) src(%dma_wait3A_66 : memref<313x16xf32, #tpu.memory_space<vmem_shared>>) dst(%arg10 : memref<313x16xf32, #tpu.memory_space<vmem>>)
      tpu.yield
    }) : () -> ()
    %dma_wait3A = arith.constant 0 : i32
    %dma_wait3A_49 = tpu.memref_slice %arg3[%add3A_15, %dma_wait3A] : memref<10000x128xf32, #tpu.memory_space<hbm>> -> memref<313x128xf32, #tpu.memory_space<hbm>>
    %dma_wait3A_50 = arith.constant 0 : i32
    %dma_wait3A_51 = tpu.memref_slice %arg3[%add3A_15, %dma_wait3A_50] : memref<10000x128xf32, #tpu.memory_space<hbm>> -> memref<313x128xf32, #tpu.memory_space<hbm>>
    tpu.wait_dma2 semaphore(%arg12 : memref<!tpu.dma_semaphore, #tpu.memory_space<semaphore_mem>>) src(%dma_wait3A_51 : memref<313x128xf32, #tpu.memory_space<hbm>>) dst(%arg9 : memref<313x128xf32, #tpu.memory_space<vmem>>)
    %scan3A_52 = arith.constant 0 : i32
    %scan3A_53 = arith.constant 0 : i32
    %scan3A_54 = arith.constant 313 : i32
    %scan3A_55 = arith.addi %scan3A_53, %scan3A_54 : i32
    %scan3A_56 = arith.constant 1 : i32
    scf.for %scan3A_58 = %scan3A_53 to %scan3A_55 step %scan3A_56  : i32 {
      %get3A = arith.index_cast %scan3A_58 : i32 to index
      %get3A_59 = arith.constant 0 : index
      %get3A_60 = tpu.vector_load %arg10[%get3A, %get3A_59] {strides = array<i32>} : memref<313x16xf32, #tpu.memory_space<vmem>>, vector<1x16xf32>,
      %get3A_61 = vector.shape_cast %get3A_60 : vector<1x16xf32> to vector<16xf32>
      %add3A_62 = arith.constant 1.000000e+00 : f32
      %add3A_63 = vector.broadcast %add3A_62 : f32 to vector<16xf32>
      %add3A_64 = arith.addf %get3A_61, %add3A_63 : vector<16xf32>
      %div3A = arith.constant 1.000000e+00 : f32
      %div3A_65 = vector.broadcast %div3A : f32 to vector<16xf32>
      %div3A_66 = arith.divf %div3A_65, %add3A_64 : vector<16xf32>
      %get3A_67 = arith.index_cast %scan3A_58 : i32 to index
      %get3A_68 = arith.constant 0 : index
      %get3A_69 = tpu.vector_load %arg9[%get3A_67, %get3A_68] {strides = array<i32>} : memref<313x128xf32, #tpu.memory_space<vmem>>, vector<1x16xf32>,
      %get3A_70 = vector.shape_cast %get3A_69 : vector<1x16xf32> to vector<16xf32>
      %mul3A_71 = arith.mulf %get3A_70, %div3A_66 : vector<16xf32>
      %swap3A = arith.index_cast %scan3A_58 : i32 to index
      %swap3A_72 = arith.constant 0 : index
      %swap3A_73 = tpu.vector_load %arg9[%swap3A, %swap3A_72] {strides = array<i32>} : memref<313x128xf32, #tpu.memory_space<vmem>>, vector<1x16xf32>,
      %swap3A_74 = vector.shape_cast %swap3A_73 : vector<1x16xf32> to vector<16xf32>
      %swap3A_75 = vector.shape_cast %mul3A_71 : vector<16xf32> to vector<1x16xf32>
      tpu.vector_store %arg9[%swap3A, %swap3A_72], %swap3A_75 {strides = array<i32>} : memref<313x128xf32, #tpu.memory_space<vmem>>, vector<1x16xf32>,
      %get3A_76 = arith.index_cast %scan3A_58 : i32 to index
      %get3A_77 = arith.constant 16 : index
      %get3A_78 = tpu.vector_load %arg9[%get3A_76, %get3A_77] {strides = array<i32>} : memref<313x128xf32, #tpu.memory_space<vmem>>, vector<1x16xf32>,
      %get3A_79 = vector.shape_cast %get3A_78 : vector<1x16xf32> to vector<16xf32>
      %mul3A_80 = arith.mulf %get3A_79, %div3A_66 : vector<16xf32>
      %swap3A_81 = arith.index_cast %scan3A_58 : i32 to index
      %swap3A_82 = arith.constant 16 : index
      %swap3A_83 = tpu.vector_load %arg9[%swap3A_81, %swap3A_82] {strides = array<i32>} : memref<313x128xf32, #tpu.memory_space<vmem>>, vector<1x16xf32>,
      %swap3A_84 = vector.shape_cast %swap3A_83 : vector<1x16xf32> to vector<16xf32>
      %swap3A_85 = vector.shape_cast %mul3A_80 : vector<16xf32> to vector<1x16xf32>
      tpu.vector_store %arg9[%swap3A_81, %swap3A_82], %swap3A_85 {strides = array<i32>} : memref<313x128xf32, #tpu.memory_space<vmem>>, vector<1x16xf32>,
      %get3A_86 = arith.index_cast %scan3A_58 : i32 to index
      %get3A_87 = arith.constant 32 : index
      %get3A_88 = tpu.vector_load %arg9[%get3A_86, %get3A_87] {strides = array<i32>} : memref<313x128xf32, #tpu.memory_space<vmem>>, vector<1x16xf32>,
      %get3A_89 = vector.shape_cast %get3A_88 : vector<1x16xf32> to vector<16xf32>
      %mul3A_90 = arith.mulf %get3A_89, %div3A_66 : vector<16xf32>
      %swap3A_91 = arith.index_cast %scan3A_58 : i32 to index
      %swap3A_92 = arith.constant 32 : index
      %swap3A_93 = tpu.vector_load %arg9[%swap3A_91, %swap3A_92] {strides = array<i32>} : memref<313x128xf32, #tpu.memory_space<vmem>>, vector<1x16xf32>,
      %swap3A_94 = vector.shape_cast %swap3A_93 : vector<1x16xf32> to vector<16xf32>
      %swap3A_95 = vector.shape_cast %mul3A_90 : vector<16xf32> to vector<1x16xf32>
      tpu.vector_store %arg9[%swap3A_91, %swap3A_92], %swap3A_95 {strides = array<i32>} : memref<313x128xf32, #tpu.memory_space<vmem>>, vector<1x16xf32>,
      %get3A_96 = arith.index_cast %scan3A_58 : i32 to index
      %get3A_97 = arith.constant 48 : index
      %get3A_98 = tpu.vector_load %arg9[%get3A_96, %get3A_97] {strides = array<i32>} : memref<313x128xf32, #tpu.memory_space<vmem>>, vector<1x16xf32>,
      %get3A_99 = vector.shape_cast %get3A_98 : vector<1x16xf32> to vector<16xf32>
      %mul3A_100 = arith.mulf %get3A_99, %div3A_66 : vector<16xf32>
      %swap3A_101 = arith.index_cast %scan3A_58 : i32 to index
      %swap3A_102 = arith.constant 48 : index
      %swap3A_103 = tpu.vector_load %arg9[%swap3A_101, %swap3A_102] {strides = array<i32>} : memref<313x128xf32, #tpu.memory_space<vmem>>, vector<1x16xf32>,
      %swap3A_104 = vector.shape_cast %swap3A_103 : vector<1x16xf32> to vector<16xf32>
      %swap3A_105 = vector.shape_cast %mul3A_100 : vector<16xf32> to vector<1x16xf32>
      tpu.vector_store %arg9[%swap3A_101, %swap3A_102], %swap3A_105 {strides = array<i32>} : memref<313x128xf32, #tpu.memory_space<vmem>>, vector<1x16xf32>,
      %get3A_106 = arith.index_cast %scan3A_58 : i32 to index
      %get3A_107 = arith.constant 64 : index
      %get3A_108 = tpu.vector_load %arg9[%get3A_106, %get3A_107] {strides = array<i32>} : memref<313x128xf32, #tpu.memory_space<vmem>>, vector<1x16xf32>,
      %get3A_109 = vector.shape_cast %get3A_108 : vector<1x16xf32> to vector<16xf32>
      %mul3A_110 = arith.mulf %get3A_109, %div3A_66 : vector<16xf32>
      %swap3A_111 = arith.index_cast %scan3A_58 : i32 to index
      %swap3A_112 = arith.constant 64 : index
      %swap3A_113 = tpu.vector_load %arg9[%swap3A_111, %swap3A_112] {strides = array<i32>} : memref<313x128xf32, #tpu.memory_space<vmem>>, vector<1x16xf32>,
      %swap3A_114 = vector.shape_cast %swap3A_113 : vector<1x16xf32> to vector<16xf32>
      %swap3A_115 = vector.shape_cast %mul3A_110 : vector<16xf32> to vector<1x16xf32>
      tpu.vector_store %arg9[%swap3A_111, %swap3A_112], %swap3A_115 {strides = array<i32>} : memref<313x128xf32, #tpu.memory_space<vmem>>, vector<1x16xf32>,
      %get3A_116 = arith.index_cast %scan3A_58 : i32 to index
      %get3A_117 = arith.constant 80 : index
      %get3A_118 = tpu.vector_load %arg9[%get3A_116, %get3A_117] {strides = array<i32>} : memref<313x128xf32, #tpu.memory_space<vmem>>, vector<1x16xf32>,
      %get3A_119 = vector.shape_cast %get3A_118 : vector<1x16xf32> to vector<16xf32>
      %mul3A_120 = arith.mulf %get3A_119, %div3A_66 : vector<16xf32>
      %swap3A_121 = arith.index_cast %scan3A_58 : i32 to index
      %swap3A_122 = arith.constant 80 : index
      %swap3A_123 = tpu.vector_load %arg9[%swap3A_121, %swap3A_122] {strides = array<i32>} : memref<313x128xf32, #tpu.memory_space<vmem>>, vector<1x16xf32>,
      %swap3A_124 = vector.shape_cast %swap3A_123 : vector<1x16xf32> to vector<16xf32>
      %swap3A_125 = vector.shape_cast %mul3A_120 : vector<16xf32> to vector<1x16xf32>
      tpu.vector_store %arg9[%swap3A_121, %swap3A_122], %swap3A_125 {strides = array<i32>} : memref<313x128xf32, #tpu.memory_space<vmem>>, vector<1x16xf32>,
      %get3A_126 = arith.index_cast %scan3A_58 : i32 to index
      %get3A_127 = arith.constant 96 : index
      %get3A_128 = tpu.vector_load %arg9[%get3A_126, %get3A_127] {strides = array<i32>} : memref<313x128xf32, #tpu.memory_space<vmem>>, vector<1x16xf32>,
      %get3A_129 = vector.shape_cast %get3A_128 : vector<1x16xf32> to vector<16xf32>
      %mul3A_130 = arith.mulf %get3A_129, %div3A_66 : vector<16xf32>
      %swap3A_131 = arith.index_cast %scan3A_58 : i32 to index
      %swap3A_132 = arith.constant 96 : index
      %swap3A_133 = tpu.vector_load %arg9[%swap3A_131, %swap3A_132] {strides = array<i32>} : memref<313x128xf32, #tpu.memory_space<vmem>>, vector<1x16xf32>,
      %swap3A_134 = vector.shape_cast %swap3A_133 : vector<1x16xf32> to vector<16xf32>
      %swap3A_135 = vector.shape_cast %mul3A_130 : vector<16xf32> to vector<1x16xf32>
      tpu.vector_store %arg9[%swap3A_131, %swap3A_132], %swap3A_135 {strides = array<i32>} : memref<313x128xf32, #tpu.memory_space<vmem>>, vector<1x16xf32>,
      %get3A_136 = arith.index_cast %scan3A_58 : i32 to index
      %get3A_137 = arith.constant 112 : index
      %get3A_138 = tpu.vector_load %arg9[%get3A_136, %get3A_137] {strides = array<i32>} : memref<313x128xf32, #tpu.memory_space<vmem>>, vector<1x16xf32>,
      %get3A_139 = vector.shape_cast %get3A_138 : vector<1x16xf32> to vector<16xf32>
      %mul3A_140 = arith.mulf %get3A_139, %div3A_66 : vector<16xf32>
      %swap3A_141 = arith.index_cast %scan3A_58 : i32 to index
      %swap3A_142 = arith.constant 112 : index
      %swap3A_143 = tpu.vector_load %arg9[%swap3A_141, %swap3A_142] {strides = array<i32>} : memref<313x128xf32, #tpu.memory_space<vmem>>, vector<1x16xf32>,
      %swap3A_144 = vector.shape_cast %swap3A_143 : vector<1x16xf32> to vector<16xf32>
      %swap3A_145 = vector.shape_cast %mul3A_140 : vector<16xf32> to vector<1x16xf32>
      tpu.vector_store %arg9[%swap3A_141, %swap3A_142], %swap3A_145 {strides = array<i32>} : memref<313x128xf32, #tpu.memory_space<vmem>>, vector<1x16xf32>,
    }
    %scan3A_57 = arith.constant 313 : i32
    "tpu.region"() ({
      %run_scoped3A_58 = tpu.sem_alloc : memref<!tpu.dma_semaphore, #tpu.memory_space<semaphore_mem>>
      %dma_start3A_59 = arith.constant 0 : i32
      %dma_start3A_60 = tpu.memref_slice %arg4[%add3A_15, %dma_start3A_59] : memref<10000x128xf32, #tpu.memory_space<hbm>> -> memref<313x128xf32, #tpu.memory_space<hbm>>
      %dma_start3A_61 = arith.constant 0 : i32
      %dma_start3A_62 = tpu.memref_slice %arg4[%add3A_15, %dma_start3A_61] : memref<10000x128xf32, #tpu.memory_space<hbm>> -> memref<313x128xf32, #tpu.memory_space<hbm>>
      tpu.enqueue_dma source(%arg9 : memref<313x128xf32, #tpu.memory_space<vmem>>) target(%dma_start3A_62 : memref<313x128xf32, #tpu.memory_space<hbm>>) target_semaphore(%run_scoped3A_58 : memref<!tpu.dma_semaphore, #tpu.memory_space<semaphore_mem>>)
      %dma_wait3A_63 = arith.constant 0 : i32
      %dma_wait3A_64 = tpu.memref_slice %arg4[%add3A_15, %dma_wait3A_63] : memref<10000x128xf32, #tpu.memory_space<hbm>> -> memref<313x128xf32, #tpu.memory_space<hbm>>
      %dma_wait3A_65 = arith.constant 0 : i32
      %dma_wait3A_66 = tpu.memref_slice %arg4[%add3A_15, %dma_wait3A_65] : memref<10000x128xf32, #tpu.memory_space<hbm>> -> memref<313x128xf32, #tpu.memory_space<hbm>>
      tpu.wait_dma2 semaphore(%run_scoped3A_58 : memref<!tpu.dma_semaphore, #tpu.memory_space<semaphore_mem>>) src(%arg9 : memref<313x128xf32, #tpu.memory_space<vmem>>) dst(%dma_wait3A_66 : memref<313x128xf32, #tpu.memory_space<hbm>>)
      tpu.yield
    }) : () -> ()
    return
  }
}

module attributes {stable_mosaic.version = 14 : i64} {
  func.func @_dense_body(%arg0: i32, %arg1: memref<2x2000x128xf32, #tpu.memory_space<vmem>>, %arg2: memref<2000x128xf32, #tpu.memory_space<vmem>>, %arg3: memref<128x128xf32, #tpu.memory_space<vmem>>, %arg4: memref<1x128xf32, #tpu.memory_space<vmem>>, %arg5: memref<1x128xf32, #tpu.memory_space<vmem>>, %arg6: memref<1x128xf32, #tpu.memory_space<vmem>>, %arg7: memref<2000x128xf32, #tpu.memory_space<vmem>>) attributes {dimension_semantics = [#tpu.dimension_semantics<arbitrary>], iteration_bounds = array<i64: 5>, scalar_prefetch = 0 : i64, scratch_operands = 0 : i64, tpu.core_type = #tpu.core_type<tc>, window_params = [{transform_indices = @transform_0, window_bounds = array<i64: 2, 2000, 128>}, {transform_indices = @transform_1, window_bounds = array<i64: 2000, 128>}, {pipeline_mode = #tpu.pipeline_mode<synchronous>, transform_indices = @transform_2, window_bounds = array<i64: 128, 128>}, {pipeline_mode = #tpu.pipeline_mode<synchronous>, transform_indices = @transform_3, window_bounds = array<i64: 1, 128>}, {pipeline_mode = #tpu.pipeline_mode<synchronous>, transform_indices = @transform_4, window_bounds = array<i64: 1, 128>}, {pipeline_mode = #tpu.pipeline_mode<synchronous>, transform_indices = @transform_5, window_bounds = array<i64: 1, 128>}, {transform_indices = @transform_6, window_bounds = array<i64: 2000, 128>}]} {
    %get3A = arith.constant 0 : index
    %get3A_0 = arith.constant 0 : index
    %get3A_1 = arith.constant 0 : index
    %get3A_2 = vector.load %arg1[%get3A, %get3A_0, %get3A_1] : memref<2x2000x128xf32, #tpu.memory_space<vmem>>, vector<1x2000x128xf32>
    %get3A_3 = vector.shape_cast %get3A_2 : vector<1x2000x128xf32> to vector<2000x128xf32>
    %get3A_4 = arith.constant 1 : index
    %get3A_5 = arith.constant 0 : index
    %get3A_6 = arith.constant 0 : index
    %get3A_7 = vector.load %arg1[%get3A_4, %get3A_5, %get3A_6] : memref<2x2000x128xf32, #tpu.memory_space<vmem>>, vector<1x2000x128xf32>
    %get3A_8 = vector.shape_cast %get3A_7 : vector<1x2000x128xf32> to vector<2000x128xf32>
    %add3A = arith.addf %get3A_3, %get3A_8 : vector<2000x128xf32>
    %get3A_9 = arith.constant 0 : index
    %get3A_10 = arith.constant 0 : index
    %get3A_11 = vector.load %arg2[%get3A_9, %get3A_10] : memref<2000x128xf32, #tpu.memory_space<vmem>>, vector<2000x128xf32>
    %add3A_12 = arith.addf %add3A, %get3A_11 : vector<2000x128xf32>
    %get3A_13 = arith.constant 0 : index
    %get3A_14 = arith.constant 0 : index
    %get3A_15 = vector.load %arg3[%get3A_13, %get3A_14] : memref<128x128xf32, #tpu.memory_space<vmem>>, vector<128x128xf32>
    %dot_general3A = arith.constant dense<0.000000e+00> : vector<2000x128xf32>
    %dot_general3A_16 = tpu.matmul %add3A_12, %get3A_15, %dot_general3A {dimension_numbers = #tpu.dot_dimension_numbers<[1], [1], [0], [0], [0, 0, 1, 0], [], []>, transpose_lhs_hint = false} : vector<2000x128xf32>, vector<128x128xf32>, vector<2000x128xf32> -> vector<2000x128xf32>
    %get3A_17 = arith.constant 0 : index
    %get3A_18 = arith.constant 0 : index
    %get3A_19 = vector.load %arg4[%get3A_17, %get3A_18] : memref<1x128xf32, #tpu.memory_space<vmem>>, vector<1x128xf32>
    %add3A_20 = vector.broadcast %get3A_19 : vector<1x128xf32> to vector<2000x128xf32>
    %add3A_21 = arith.addf %dot_general3A_16, %add3A_20 : vector<2000x128xf32>
    %max3A = arith.constant 0.000000e+00 : f32
    %max3A_22 = vector.broadcast %max3A : f32 to vector<2000x128xf32>
    %max3A_23 = arith.maximumf %add3A_21, %max3A_22 : vector<2000x128xf32>
    %reduce_sum3A = arith.constant dense<0.000000e+00> : vector<2000xf32>
    %reduce_sum3A_24 = vector.multi_reduction <add>, %max3A_23, %reduce_sum3A [1] : vector<2000x128xf32> to vector<2000xf32>
    %broadcast_in_dim3A = vector.shape_cast %reduce_sum3A_24 : vector<2000xf32> to vector<2000x1xf32>
    %div3A = arith.constant 1.280000e+02 : f32
    %div3A_25 = vector.broadcast %div3A : f32 to vector<2000x1xf32>
    %div3A_26 = arith.divf %broadcast_in_dim3A, %div3A_25 : vector<2000x1xf32>
    %sub3A = vector.broadcast %div3A_26 : vector<2000x1xf32> to vector<2000x128xf32>
    %sub3A_27 = arith.subf %max3A_23, %sub3A : vector<2000x128xf32>
    %integer_pow3A = arith.mulf %sub3A_27, %sub3A_27 : vector<2000x128xf32>
    %reduce_sum3A_28 = arith.constant dense<0.000000e+00> : vector<2000xf32>
    %reduce_sum3A_29 = vector.multi_reduction <add>, %integer_pow3A, %reduce_sum3A_28 [1] : vector<2000x128xf32> to vector<2000xf32>
    %broadcast_in_dim3A_30 = vector.shape_cast %reduce_sum3A_29 : vector<2000xf32> to vector<2000x1xf32>
    %div3A_31 = arith.constant 1.280000e+02 : f32
    %div3A_32 = vector.broadcast %div3A_31 : f32 to vector<2000x1xf32>
    %div3A_33 = arith.divf %broadcast_in_dim3A_30, %div3A_32 : vector<2000x1xf32>
    %sub3A_34 = vector.broadcast %div3A_26 : vector<2000x1xf32> to vector<2000x128xf32>
    %sub3A_35 = arith.subf %max3A_23, %sub3A_34 : vector<2000x128xf32>
    %add3A_36 = arith.constant 9.99999974E-6 : f32
    %add3A_37 = vector.broadcast %add3A_36 : f32 to vector<2000x1xf32>
    %add3A_38 = arith.addf %div3A_33, %add3A_37 : vector<2000x1xf32>
    %rsqrt3A = math.rsqrt %add3A_38 : vector<2000x1xf32>
    %mul3A = vector.broadcast %rsqrt3A : vector<2000x1xf32> to vector<2000x128xf32>
    %mul3A_39 = arith.mulf %sub3A_35, %mul3A : vector<2000x128xf32>
    %get3A_40 = arith.constant 0 : index
    %get3A_41 = arith.constant 0 : index
    %get3A_42 = vector.load %arg5[%get3A_40, %get3A_41] : memref<1x128xf32, #tpu.memory_space<vmem>>, vector<1x128xf32>
    %mul3A_43 = vector.broadcast %get3A_42 : vector<1x128xf32> to vector<2000x128xf32>
    %mul3A_44 = arith.mulf %mul3A_39, %mul3A_43 : vector<2000x128xf32>
    %get3A_45 = arith.constant 0 : index
    %get3A_46 = arith.constant 0 : index
    %get3A_47 = vector.load %arg6[%get3A_45, %get3A_46] : memref<1x128xf32, #tpu.memory_space<vmem>>, vector<1x128xf32>
    %add3A_48 = vector.broadcast %get3A_47 : vector<1x128xf32> to vector<2000x128xf32>
    %add3A_49 = arith.addf %mul3A_44, %add3A_48 : vector<2000x128xf32>
    %swap3A = arith.constant 0 : index
    %swap3A_50 = arith.constant 0 : index
    %swap3A_51 = vector.load %arg7[%swap3A, %swap3A_50] : memref<2000x128xf32, #tpu.memory_space<vmem>>, vector<2000x128xf32>
    tpu.vector_store %arg7[%swap3A, %swap3A_50], %add3A_49 {strides = array<i32>} : memref<2000x128xf32, #tpu.memory_space<vmem>>, vector<2000x128xf32>,
    return
  }
  func.func @transform_0(%arg0: i32) -> (i32, i32, i32) {
    %c0_i32 = arith.constant 0 : i32
    %c0_i32_0 = arith.constant 0 : i32
    %c0_i32_1 = arith.constant 0 : i32
    return %c0_i32, %arg0, %c0_i32_0 : i32, i32, i32
  }
  func.func @transform_1(%arg0: i32) -> (i32, i32) {
    %c0_i32 = arith.constant 0 : i32
    %c0_i32_0 = arith.constant 0 : i32
    return %arg0, %c0_i32 : i32, i32
  }
  func.func @transform_2(%arg0: i32) -> (i32, i32) {
    %c0_i32 = arith.constant 0 : i32
    %c0_i32_0 = arith.constant 0 : i32
    %c0_i32_1 = arith.constant 0 : i32
    return %c0_i32, %c0_i32_0 : i32, i32
  }
  func.func @transform_3(%arg0: i32) -> (i32, i32) {
    %c0_i32 = arith.constant 0 : i32
    %c0_i32_0 = arith.constant 0 : i32
    %c0_i32_1 = arith.constant 0 : i32
    return %c0_i32, %c0_i32_0 : i32, i32
  }
  func.func @transform_4(%arg0: i32) -> (i32, i32) {
    %c0_i32 = arith.constant 0 : i32
    %c0_i32_0 = arith.constant 0 : i32
    %c0_i32_1 = arith.constant 0 : i32
    return %c0_i32, %c0_i32_0 : i32, i32
  }
  func.func @transform_5(%arg0: i32) -> (i32, i32) {
    %c0_i32 = arith.constant 0 : i32
    %c0_i32_0 = arith.constant 0 : i32
    %c0_i32_1 = arith.constant 0 : i32
    return %c0_i32, %c0_i32_0 : i32, i32
  }
  func.func @transform_6(%arg0: i32) -> (i32, i32) {
    %c0_i32 = arith.constant 0 : i32
    %c0_i32_0 = arith.constant 0 : i32
    return %arg0, %c0_i32 : i32, i32
  }
}

</mosaic_0001>

<sc_bundles>
// kernel: kernel.5.cloned.1.call-start
scs
__scs_entry_jumppad:
0x0: {  	(pc) =	sbr.rel $0x88, $3  }
0x1: {  	(tag) =	ssettag $0x0;
	lr =	simm.s32 $0x1  }
0x2: {  	[smem:$0x3F9B] =	sst lr;
	_ =	strace $0xD0000000  }
0x3: {  	_ = 	snop  }
0x4: {  	_ = 	snop  }
0x5: {  	_ = 	snop  }
0x6: {  	_ = 	snop  }
0x7: {  	_ = 	snop  }
__scs_overlays_trampoline_lowered:
0x8: {  	[smem:$0x3FAA] =	sst s0  }
0x9: {  	[smem:$0x3FAB] =	sst s1  }
0xa: {  	[smem:$0x3FAC] =	sst s2  }
0xb: {  	[smem:$0x3FAD] =	sst s3  }
0xc: {  	[smem:$0x3FAE] =	sst s4  }
0xd: {  	[smem:$0x3FAF] =	sst s5  }
0xe: {  	[smem:$0x3FB0] =	sst s6  }
0xf: {  	[smem:$0x3FB1] =	sst s7  }
0x10: {  	[smem:$0x3FB2] =	sst s8  }
0x11: {  	[smem:$0x3FB3] =	sst s9;
	s0 =	simm.s32 @!p0 $0x0  }
0x12: {  	s1 =	sld [smem:$0x3F99];
	s0 =	simm.s32 @p0 $0x1  }
0x13: {  	[smem:$0x3FB4] =	sst s0;
	s0 =	simm.s32 @!p1 $0x0  }
0x14: {  	s2 =	sld [smem:$0x3F98];
	s0 =	simm.s32 @p1 $0x1  }
0x15: {  	[smem:$0x3FB5] =	sst s0;
	s0 =	simm.s32 @!p2 $0x0  }
0x16: {  	s3 =	sld [smem:$0x3FDB];
	s0 =	simm.s32 @p2 $0x1  }
0x17: {  	s4 =	simm.s32 $0x1BF5;
	[smem:$0x3FB7] =	sst s0  }
0x18: {  	s0 =	sld [smem:$0x3F9A];
	_ =	swait.ge [sflag:s4], $0x0  }
0x19: {  	s7 =	sld [smem:$0x3F9B]  }
0x1a: {  	s8 =	sadd.s32 $0xFFFFE003, lr  }
0x1b: {  	s9 =	sadd.s32 $0xFFFFFEF7, lr;
	s5 =	simm.s32 $0xFFFFFFFF;
	p2 =	slt.u32 s8, $0xFFFFF086  }
0x1c: {  	p1 =	slt.u32 s9, $0xF7A;
	s5 =	simm.s32 @!p2 $0x0  }
0x1d: {  	s5 =	simm.s32 @p1 $0x1;
	p0 =	seq.s32 s7, s2  }
0x1e: {  	s7 =	smul.u32 @!p0 $0xF7A, s2;
	p2 =	seq.s32 @!p0 s5, $0x0  }
0x1f: {  	s9 =	smul.u32 $0xF7A, s1;
	s8 =	simm.s32 @!p0 $0x1BF5;
	p2 =	por !p2, p0  }
0x20: {  	[sflag:s8] =	ssyncset.s32 @!p0 $0xFFFFF086;
	s6 =	sadd.s32 @!p0 s3, s7;
	s7 =	simm.s32 @!p0 $0x108  }
0x21: {  	s3 =	sadd.s32 s3, s9;
	s6 =	sadd.s32 @!p0 $0x88, s6;
	s7 =	simm.s32 @p2 $0x1082  }
0x22: {  	[simem:s7], [sflag:s8] =	dma.local @!p0 [hbm:s6], $0xF7A  }
0x23: {  	s9 =	sor.u32 $0xD0000000, s2;
	s6 =	simm.s32 $0x108;
	_ =	swait.ge @!p0 [sflag:s8], $0x0  }
0x24: {  	s3 =	sadd.s32 $0x88, s3;
	s6 =	simm.s32 @!p1 $0x1082;
	[sflag:s4] =	ssyncset.s32 $0xFFFFF086  }
0x25: {  	[simem:s6], [sflag:s4] =	dma.local [hbm:s3], $0xF7A  }
0x26: {  	[smem:$0x3F9B] =	sst s1;
	(tag) =	ssettag s2;
	_ =	strace s9  }
0x27: {  	s1 =	sld [smem:$0x3FAB]  }
0x28: {  	s2 =	sld [smem:$0x3FAC]  }
0x29: {  	s4 =	sld [smem:$0x3FAE]  }
0x2a: {  	p0 =	seq.s32 s5, $0x0;
	s5 =	sld [smem:$0x3FAF]  }
0x2b: {  	s6 =	sld [smem:$0x3FB0]  }
0x2c: {  	s7 =	sld [smem:$0x3FB1]  }
0x2d: {  	s3 =	simm.s32 $0x108;
	s8 =	sld [smem:$0x3FB2]  }
0x2e: {  	s3 =	simm.s32 @!p0 $0x1082;
	s9 =	sld [smem:$0x3FB3]  }
0x2f: {  	lr =	sadd.s32 s0, s3;
	s0 =	sld [smem:$0x3FAA]  }
0x30: {  	s3 =	sld [smem:$0x3FAD]  }
0x31: {  	[smem:$0x3FB6] =	sst s10  }
0x32: {  	s10 =	sld [smem:$0x3FB4];
	_ =	sdelay $0x3  }
0x33: {  	p0 =	seq.s32 s10, $0x1;
	s10 =	sld [smem:$0x3FB6];
	_ =	sdelay $0x3  }
0x34: {  	[smem:$0x3FB6] =	sst s10  }
0x35: {  	s10 =	sld [smem:$0x3FB5];
	_ =	sdelay $0x3  }
0x36: {  	p1 =	seq.s32 s10, $0x1;
	s10 =	sld [smem:$0x3FB6];
	_ =	sdelay $0x3  }
0x37: {  	[smem:$0x3FB6] =	sst s10  }
0x38: {  	s10 =	sld [smem:$0x3FB7]  }
0x39: {  	_ = 	snop;
	(pc) =	sbr.ind lr, $3  }
0x3a: {  	_ = 	snop  }
0x3b: {  	_ = 	snop  }
0x3c: {  	p2 =	seq.s32 s10, $0x1;
	s10 =	sld [smem:$0x3FB6]  }
0x3d: {  	_ =	shalt  }
0x3e: {  	_ =	shalt  }
0x3f: {  	_ =	shalt  }
0x40: {  	_ =	shalt  }
0x41: {  	_ =	shalt  }
0x42: {  	_ =	shalt  }
0x43: {  	_ =	shalt  }
0x44: {  	_ =	shalt  }
0x45: {  	_ =	shalt  }
0x46: {  	_ =	shalt  }
0x47: {  	_ =	shalt  }
0x48: {  	_ =	shalt  }
0x49: {  	_ =	shalt  }
0x4a: {  	_ =	shalt  }
0x4b: {  	_ =	shalt  }
0x4c: {  	_ =	shalt  }
0x4d: {  	_ =	shalt  }
0x4e: {  	_ =	shalt  }
0x4f: {  	_ =	shalt  }
0x50: {  	_ =	shalt  }
0x51: {  	_ =	shalt  }
0x52: {  	_ =	shalt  }
0x53: {  	_ =	shalt  }
0x54: {  	_ =	shalt  }
0x55: {  	_ =	shalt  }
0x56: {  	_ =	shalt  }
0x57: {  	_ =	shalt  }
0x58: {  	_ =	shalt  }
0x59: {  	_ =	shalt  }
0x5a: {  	_ =	shalt  }
0x5b: {  	_ =	shalt  }
0x5c: {  	_ =	shalt  }
0x5d: {  	_ =	shalt  }
0x5e: {  	_ =	shalt  }
0x5f: {  	_ =	shalt  }
0x60: {  	_ =	shalt  }
0x61: {  	_ =	shalt  }
0x62: {  	_ =	shalt  }
0x63: {  	_ =	shalt  }
0x64: {  	_ =	shalt  }
0x65: {  	_ =	shalt  }
0x66: {  	_ =	shalt  }
0x67: {  	_ =	shalt  }
0x68: {  	_ =	shalt  }
0x69: {  	_ =	shalt  }
0x6a: {  	_ =	shalt  }
0x6b: {  	_ =	shalt  }
0x6c: {  	_ =	shalt  }
0x6d: {  	_ =	shalt  }
0x6e: {  	_ =	shalt  }
0x6f: {  	_ =	shalt  }
0x70: {  	_ =	shalt  }
0x71: {  	_ =	shalt  }
0x72: {  	_ =	shalt  }
0x73: {  	_ =	shalt  }
0x74: {  	_ =	shalt  }
0x75: {  	_ =	shalt  }
0x76: {  	_ =	shalt  }
0x77: {  	_ =	shalt  }
0x78: {  	_ =	shalt  }
0x79: {  	_ =	shalt  }
0x7a: {  	_ =	shalt  }
0x7b: {  	_ =	shalt  }
0x7c: {  	_ =	shalt  }
0x7d: {  	_ =	shalt  }
0x7e: {  	_ =	shalt  }
0x7f: {  	_ =	shalt  }
0x80: {  	_ =	shalt  }
0x81: {  	_ =	shalt  }
0x82: {  	_ =	shalt  }
0x83: {  	_ =	shalt  }
0x84: {  	_ =	shalt  }
0x85: {  	_ =	shalt  }
0x86: {  	_ =	shalt  }
0x87: {  	_ =	shalt  }
.Lfunc_end0:
.L_simem_size_0:
called_computation_lowered:
.L_overlay_start_0:
0x88: {  	s2 =	sld [smem:$0x3FD9]  }
0x89: {  	s3 =	sld [smem:$0x3FFE];
	_ =	sdelay $0x1  }
0x8a: {  	s1 =	srdreg.scid  }
0x8b: {  	s0 =	sand.u32 $0x1, s1  }
0x8c: {  	s17 =	sshll.u32 s0, $0xA;
	s2 =	sadd.s32 s3, s2  }
0x8d: {  	s2 =	sadd.s32 s2, s17  }
0x8e: {  	[smem:$0x3FC2] =	sst s2  }
0x8f: {  	_ = 	snop  }
0x90: {  	s2 =	sld [smem:$0x3FC9]  }
0x91: {  	s18 =	sld [smem:$0x3FD0];
	(tm) =	ssettm $0x1  }
0x92: {  	s4 =	sld [smem:$0x3FFB];
	_ =	sdelay $0x3  }
0x93: {  	_ =	strace s4  }
0x94: {  	s4 =	sld [smem:$0x3FFC];
	_ =	sdelay $0x3  }
0x95: {  	_ =	strace s4  }
0x96: {  	s4 =	sld [smem:$0x3FFD];
	_ =	sdelay $0x3  }
0x97: {  	_ =	strace s4  }
0x98: {  	_ =	strace $0x8FFFFFFF  }
0x99: {  	s19 =	sld [smem:$0x3FDB];
	_ =	sdelay $0x1  }
0x9a: {  	s5 =	simm.s32 $_scs_section_size  }
0x9b: {  	s6 =	simm.s32 $_size__tile_overlayer_lowered;
	s7 =	simm.s32 $_tile_overlayer_lowered  }
0x9c: {  	s22 =	simm.s32 $0x1BFF;
	s21 =	sshll.u32 s7, $0x1;
	s4 =	sadd.s32 s5, s19  }
0x9d: {  	s8 =	simm.s32 $0x0;
	s20 =	sshll.u32 s6, $0x1;
	s6 =	sadd.s32 s21, s4  }
0x9e: {  	[timem:s8], [sflag:s22] =	dma.local [hbm:s6], s20  }
0x9f: {  	_ =	swait.ge [sflag:s22], s20  }
0xa0: {  	s5 =	ssub.s32 $0x0, s20;
	[sflag:s22] =	ssyncset.done $0x0  }
0xa1: {  	[sflag:s22] =	ssyncadd.s32 s5;
	_ =	sdelay $0x1  }
0xa2: {  	s23 =	simm.s32 $0x1B8B  }
0xa3: {  	_ =	swait.ge [sflag:s23], $0x1  }
0xa4: {  	[sflag:s23] =	ssyncset.done $0x0  }
0xa5: {  	s25 =	simm.s32 $0x1B8E;
	s24 =	sld [smem:$0x3FFE];
	[sflag:s23] =	ssyncadd.s32 $0xFFFFFFFF  }
0xa6: {  	s26 =	simm.s32 $execute0_lowered;
	[smem:$0x3FD2] =	sst s25  }
0xa7: {  	s6 =	sshll.u32 s26, $0x1;
	_ =	strace $0x80000046;
	[dreg:$0x1] =	wrdreg $0xFFFFFFFF  }
0xa8: {  	s28 =	simm.s32 $_size_execute0_lowered;
	s4 =	sadd.s32 s4, s6;
	[dreg:$0x0] =	wrdreg $0x0  }
0xa9: {  	s6 =	sshll.u32 s28, $0x1;
	[dreg:$0x2] =	wrdreg s4  }
0xaa: {  	[dreg:$0x3] =	wrdreg s6  }
0xab: {  	[dreg:$0x4] =	wrdreg $0xC0  }
0xac: {  	_ =	task [dreg:s8], $0x5FFFF  }
0xad: {  	[dreg:$0x1] =	wrdreg $0xFFFFFFFF  }
0xae: {  	[dreg:$0x0] =	wrdreg $0x60  }
0xaf: {  	[dreg:$0x2] =	wrdreg s24  }
0xb0: {  	[dreg:$0x3] =	wrdreg s2  }
0xb1: {  	[dreg:$0x4] =	wrdreg s18  }
0xb2: {  	[dreg:$0x5] =	wrdreg $0x0  }
0xb3: {  	[dreg:$0x6] =	wrdreg $0x9  }
0xb4: {  	_ =	task.clear_ibuf [dreg:s8], $0x7FFFF;
	_ =	strace $0x90000046  }
0xb5: {  	s29 =	simm.s32 $0x9;
	_ =	strace $0x80000048  }
0xb6: {  	_ =	swait.ge [sflag:s29], $0x1  }
0xb7: {  	[sflag:s29] =	ssyncadd.s32 $0xFFFFFFFF  }
0xb8: {  	_ =	strace $0x90000048  }
0xb9: {  	_ =	sfence  }
0xba: {  	s30 =	sld [smem:$0x0];
	_ =	sdelay $0x2  }
0xbb: {  	s31 =	sshll.u32 s1, $0xD;
	s1 =	sshrl.u32 s1, $0x2  }
0xbc: {  	s3 =	sand.u32 $0x4000, s31;
	s1 =	sadd.s32 s1, s30  }
0xbd: {  	s0 =	sor.u32 s3, s0;
	s1 =	sshll.u32 s1, $0x11  }
0xbe: {  	s0 =	sor.u32 s1, s0  }
0xbf: {  	s0 =	sadd.s32 $0x8F2B, s0  }
0xc0: {  	[sflag:s0] =	ssyncadd.remote.s32 $0x1  }
0xc1: {  	_ =	sfence.sel $0xFFFF  }
0xc2: {  	[dreg:$0x0] =	wrdreg $0xFFFFFFFF;
	(pc) =	sbr.abs _section_cstart, $3  }
0xc3: {  	[dreg:$0x1] =	wrdreg $0xFFFFFFFF  }
0xc4: {  	_ =	task.clear_ibuf [dreg:s8], $0x2FFFF;
	_ =	strace $0x9FFFFFFF  }
0xc5: {  	(tm) =	ssettm $0x7FFFFFFF  }
tec
execute0_lowered:
.L_overlay_start_1:
0x0: {  	(tag) =	ssettag $0x1  }
0x1: {  	s5 =	rddreg [dreg:$0x0]  }
0x2: {  	s6 =	rddreg [dreg:$0x1]  }
0x3: {  	s9 =	rddreg [dreg:$0x2]  }
0x4: {  	s1 =	rddreg [dreg:$0x3]  }
0x5: {  	s0 =	rddreg [dreg:$0x4];
	s2 =	simm.s32 $0x0;
	s3 =	srdreg.scid  }
0x6: {  	s13 =	simm.s32 $0x3;
	s14 =	simm.s32 $0x80;
	s15 =	simm.s32 $0x7590  }
0x7: {  	s16 =	simm.s32 $0x1;
	s17 =	simm.s32 $0x14210;
	s18 =	simm.s32 $0x2  }
0x8: {  	s19 =	simm.s32 $0x0;
	[smem:$0x7FF] =	sst s2;
	s4 =	sand.u32 $0x1, s3  }
0x9: {  	s3 =	stileid.u32;
	_ =	strace $0x80000047;
	s7 =	ssub.s32 $0x2, s4  }
0xa: {  	s4 =	sshll.u32 s4, $0x4;
	s10 =	smul.u32 $0x9C, s3;
	s26 =	smax.u32 s3, $0xC  }
0xb: {  	s30 =	smul.u32 $0x9C40, s3;
	s8 =	sshrl.u32 s7, $0x1;
	s4 =	sor.u32 s3, s4  }
0xc: {  	p0 =	sgt.u32 s3, $0xB;
	s11 =	ssub.s32 s7, s8;
	s28 =	smul.u32 $0x138, s4  }
0xd: {  	s7 =	sadd.s32 s10, s26;
	s29 =	smax.u32 s4, $0x10;
	s4 =	simm.s32 $0x9D  }
0xe: {  	s31 =	sshrl.u32 s30, $0x2;
	s7 =	sshll.u32 s7, $0x4;
	s8 =	sadd.s32 s28, s29  }
0xf: {  	s4 =	simm.s32 @!p0 $0x9C;
	s10 =	smax.u32 s11, $0x1;
	s8 =	sshll.u32 s8, $0x4  }
0x10: {  	s11 =	simm.s32 $0xA590;
	s7 =	sadd.s32 s5, s7;
	s12 =	sadd.s32 $0xFFFFFF00, s8  }
0x11: {  	s7 =	sadd.s32 $0x1340, s7;
	s5 =	sadd.s32 s6, s12;
	s6 =	sadd.s32 s31, s1  }
0x12: {  	v0 =	vimm.f32 $1.000000000e+00;
	v1 =	vimm.f32 $0.0e+00;
	s8 =	sadd.s32 s12, s1;
	s9 =	sadd.s32 s9, s12;
	s12 =	simm.s32 $0x7D90  }
.LBB2_1:
0x13: {  	[tilespmem:s11], [sflag:$0x2] =	stream.linear.gather [hbm4b:s5+s2], $0x9C80, $0x38;
	[tilespmem:$0x155A0] =	vst v63  }
0x14: {  	s20 =	simm.s32 $0x0  }
0x15: {  	[tilespmem:s20+$0x9D90] =	vst v1  }
0x16: {  	[tilespmem:s20+$0x7590] =	vst v0  }
0x17: {  	[tilespmem:s20+$0x7D90] =	vst v1  }
0x18: {  	[tilespmem:s20+$0x8590] =	vst v1  }
0x19: {  	s21 =	simm.s32 $0x40;
	[tilespmem:s20+$0x8D90] =	vst v1  }
.LBB2_2:
0x1a: {  	p0 =	sne.s32 s21, $0x1FC0;
	[tilespmem:s20+$0x9590] =	vst v1;
	s20 =	sshra.s32 s21, $0x2;
	s21 =	sadd.s32 $0x40, s21  }
.Ltmp0:
0x1b: {  	[tilespmem:s20+$0x9D90] =	vst v1;
	(pc) =	sbr.rel @p0 .LBB2_2-.Ltmp0, $4  }
0x1c: {  	[tilespmem:s20+$0x7590] =	vst v0  }
0x1d: {  	[tilespmem:s20+$0x7D90] =	vst v1  }
0x1e: {  	[tilespmem:s20+$0x8590] =	vst v1  }
0x1f: {  	[tilespmem:s20+$0x8D90] =	vst v1  }
0x20: {  	[tilespmem:s20+$0x9590] =	vst v1  }
0x21: {  	[spmem:s6] =	stream.linear.scatter [tilespmem:s12], [sflag:$0x3], $0x2710, $0x38;
	[tilespmem:$0x155A0] =	vst v63  }
0x22: {  	_ =	swait.ge [sflag:s13], $0x2710  }
0x23: {  	[sflag:s13] =	ssyncset.done $0x0  }
0x24: {  	s20 =	simm.s32 $0x2710;
	p0 =	sne.s32 s4, $0x1;
	[sflag:s13] =	ssyncadd.s32 $0xFFFFD8F0  }
0x25: {  	[tilespmem:s20], [sflag:$0x3] =	stream.linear.gather [hbm4b:s7+s2], $0x4E80, $0x38;
	[tilespmem:$0x155A0] =	vst v63  }
.Ltmp1:
0x26: {  	_ =	swait.ge [sflag:s13], $0x4E80;
	(pc) =	sbr.rel @!p0 .LBB2_5-.Ltmp1, $4  }
0x27: {  	[sflag:s13] =	ssyncset.done $0x0  }
0x28: {  	[sflag:s13] =	ssyncadd.s32 $0xFFFFB180  }
0x29: {  	s21 =	sadd.s32 $0xFFFFFFFF, s4;
	[bflag:$0x0] =	sbarrier.arrive $0xFFFF  }
0x2a: {  	[spmem:s1] =	stream.indirect.scatter.add.f32 [tilespmem:s15], [sflag:$0x1], $0x10, s20, s14, $0xb8;
	[tilespmem:$0x155A0] =	vst v63  }
.LBB2_4:
0x2b: {  	p1 =	sne.s32 s21, $0x1  }
.Ltmp2:
0x2c: {  	_ = 	snop;
	(pc) =	sbr.rel @p1 .LBB2_4-.Ltmp2, $3  }
0x2d: {  	_ = 	snop  }
0x2e: {  	s21 =	sadd.s32 $0xFFFFFFFF, s21;
	s20 =	sadd.s32 $0x80, s20;
	_ =	sdelay $0x1  }
0x2f: {  	[spmem:s1] =	stream.indirect.scatter.add.f32 [tilespmem:s15], [sflag:$0x1], $0x10, s20, s14, $0xb8;
	[tilespmem:$0x155A0] =	vst v63  }
.LBB2_5:
.Ltmp3:
0x30: {  	(pc) =	sbr.rel @!p0 .LBB2_7-.Ltmp3, $3  }
0x31: {  	_ =	sdelay $0x1  }
0x32: {  	_ =	swait.ge [sflag:s16], $0x800  }
0x33: {  	s20 =	sadd.s32 $0xFFFFFFFF, s4;
	[sflag:s16] =	ssyncset.done $0x0  }
.LBB2_6:
0x34: {  	p0 =	sne.s32 s20, $0x1;
	s20 =	sadd.s32 $0xFFFFFFFF, s20;
	[sflag:s16] =	ssyncadd.s32 $0xFFFFF800  }
.Ltmp4:
0x35: {  	(pc) =	sbr.rel @p0 .LBB2_6-.Ltmp4, $3  }
0x36: {  	_ =	sdelay $0x1  }
0x37: {  	_ =	swait.ge [sflag:s16], $0x800  }
0x38: {  	[sflag:s16] =	ssyncset.done $0x0  }
.LBB2_7:
0x39: {  	[sflag:s16] =	ssyncadd.s32 $0xFFFFF800  }
0x3a: {  	[bflag:$0x0] =	sbarrier.arrive $0xFFFF  }
0x3b: {  	[tilespmem:s17], [sflag:$0x3] =	stream.linear.gather [spmem:s8], $0x1390, $0x38;
	[tilespmem:$0x155A0] =	vst v63  }
0x3c: {  	_ =	swait.ge [sflag:s13], $0x1390  }
0x3d: {  	[sflag:s13] =	ssyncset.done $0x0  }
0x3e: {  	[sflag:s13] =	ssyncadd.s32 $0xFFFFEC70  }
0x3f: {  	_ =	swait.ge [sflag:s18], $0x9C80  }
0x40: {  	[sflag:s18] =	ssyncset.done $0x0  }
0x41: {  	s20 =	simm.s32 $0x0;
	[sflag:s18] =	ssyncadd.s32 $0xFFFF6380  }
0x42: {  	v2 =	vld [tilespmem:s20+$0x14210];
	_ =	sdelay $0x4  }
0x43: {  	v2 =	vadd.f32 $1.000000000e+00, v2;
	_ =	sdelay $0x1  }
0x44: {  	(erf) = vrcp.f32 v2;
	_ =	sdelay $0x3  }
0x45: {  	s20 =	simm.s32 $0xA5D0  }
0x46: {  	v2 =	vld [tilespmem:s20+$0xFFFFFFC0]  }
0x47: {  	v3 =	vld [tilespmem:s20+$0xFFFFFFD0]  }
0x48: {  	v4 =	vld [tilespmem:s20+$0xFFFFFFE0]  }
0x49: {  	v8 =	vld [tilespmem:s20+$0x10]  }
0x4a: {  	v5 =	vld [tilespmem:s20+$0xFFFFFFF0];
	v7 =	vpop (erf)  }
0x4b: {  	v6 =	vld [tilespmem:s20+$0x0];
	v2 =	vmul.f32 v7, v2  }
0x4c: {  	v9 =	vld [tilespmem:s20+$0x20];
	v3 =	vmul.f32 v3, v7  }
0x4d: {  	v10 =	vld [tilespmem:s20+$0x30];
	v4 =	vmul.f32 v4, v7;
	[tilespmem:s20+$0xFFFFFFC0] =	vst v2  }
0x4e: {  	v63 =	vmul.f32 v8, v7;
	[tilespmem:s20+$0xFFFFFFD0] =	vst v3  }
0x4f: {  	v2 =	vmul.f32 v5, v7;
	[tilespmem:s20+$0xFFFFFFE0] =	vst v4  }
0x50: {  	v3 =	vmul.f32 v6, v7;
	[tilespmem:s20+$0x10] =	vst v63  }
0x51: {  	[tilespmem:s20+$0xFFFFFFF0] =	vst v2;
	v2 =	vmul.f32 v9, v7  }
0x52: {  	[tilespmem:s20+$0x0] =	vst v3;
	v3 =	vmul.f32 v10, v7  }
0x53: {  	[tilespmem:s20+$0x20] =	vst v2  }
0x54: {  	s22 =	simm.s32 $0x10;
	s21 =	simm.s32 $0x80;
	[tilespmem:s20+$0x30] =	vst v3  }
.LBB2_8:
0x55: {  	p0 =	sne.s32 s21, $0x4E00;
	v2 =	vld [tilespmem:s22+$0x14210];
	_ =	sdelay $0x4  }
0x56: {  	v2 =	vadd.f32 $1.000000000e+00, v2;
	_ =	sdelay $0x1  }
0x57: {  	s20 =	sadd.s32 $0x80, s20;
	(erf) = vrcp.f32 v2  }
0x58: {  	v2 =	vld [tilespmem:s20+$0xFFFFFFF0]  }
0x59: {  	v3 =	vld [tilespmem:s20+$0x30]  }
0x5a: {  	v4 =	vld [tilespmem:s20+$0x10]  }
0x5b: {  	v5 =	vld [tilespmem:s20+$0xFFFFFFD0]  }
0x5c: {  	v6 =	vld [tilespmem:s20+$0xFFFFFFC0]  }
0x5d: {  	v7 =	vld [tilespmem:s20+$0xFFFFFFE0]  }
0x5e: {  	v8 =	vld [tilespmem:s20+$0x0]  }
0x5f: {  	v9 =	vld [tilespmem:s20+$0x20]  }
0x60: {  	v10 =	vpop (erf)  }
0x61: {  	v6 =	vmul.f32 v10, v6;
	v5 =	vmul.f32 v5, v10  }
0x62: {  	v2 =	vmul.f32 v2, v10;
	v7 =	vmul.f32 v7, v10  }
0x63: {  	v4 =	vmul.f32 v4, v10;
	[tilespmem:s20+$0xFFFFFFC0] =	vst v6;
	v6 =	vmul.f32 v8, v10  }
0x64: {  	v3 =	vmul.f32 v3, v10;
	[tilespmem:s20+$0xFFFFFFD0] =	vst v5;
	v5 =	vmul.f32 v9, v10  }
0x65: {  	[tilespmem:s20+$0xFFFFFFE0] =	vst v7  }
.Ltmp5:
0x66: {  	[tilespmem:s20+$0xFFFFFFF0] =	vst v2;
	(pc) =	sbr.rel @p0 .LBB2_8-.Ltmp5, $4  }
0x67: {  	[tilespmem:s20+$0x0] =	vst v6  }
0x68: {  	[tilespmem:s20+$0x10] =	vst v4  }
0x69: {  	[tilespmem:s20+$0x20] =	vst v5  }
0x6a: {  	s22 =	sshra.s32 s21, $0x2;
	s21 =	sadd.s32 $0x40, s21;
	[tilespmem:s20+$0x30] =	vst v3  }
0x6b: {  	v2 =	vld [tilespmem:s22+$0x14210];
	_ =	sdelay $0x4  }
0x6c: {  	v2 =	vadd.f32 $1.000000000e+00, v2;
	_ =	sdelay $0x1  }
0x6d: {  	(erf) = vrcp.f32 v2;
	_ =	sdelay $0x3  }
0x6e: {  	s20 =	sadd.s32 $0x80, s20  }
0x6f: {  	v2 =	vld [tilespmem:s20+$0xFFFFFFC0]  }
0x70: {  	v3 =	vld [tilespmem:s20+$0xFFFFFFD0]  }
0x71: {  	v4 =	vld [tilespmem:s20+$0xFFFFFFE0]  }
0x72: {  	v8 =	vld [tilespmem:s20+$0x10]  }
0x73: {  	v5 =	vld [tilespmem:s20+$0xFFFFFFF0];
	v7 =	vpop (erf)  }
0x74: {  	v6 =	vld [tilespmem:s20+$0x0];
	v2 =	vmul.f32 v7, v2  }
0x75: {  	v9 =	vld [tilespmem:s20+$0x20];
	v3 =	vmul.f32 v3, v7  }
0x76: {  	v10 =	vld [tilespmem:s20+$0x30];
	v4 =	vmul.f32 v4, v7;
	[tilespmem:s20+$0xFFFFFFC0] =	vst v2  }
0x77: {  	v63 =	vmul.f32 v8, v7;
	[tilespmem:s20+$0xFFFFFFD0] =	vst v3  }
0x78: {  	v2 =	vmul.f32 v5, v7;
	[tilespmem:s20+$0xFFFFFFE0] =	vst v4  }
0x79: {  	v3 =	vmul.f32 v6, v7;
	[tilespmem:s20+$0x10] =	vst v63  }
0x7a: {  	[tilespmem:s20+$0xFFFFFFF0] =	vst v2;
	v2 =	vmul.f32 v9, v7  }
0x7b: {  	s19 =	sadd.s32 $0x1, s19;
	[tilespmem:s20+$0x0] =	vst v3;
	v3 =	vmul.f32 v10, v7  }
0x7c: {  	p0 =	sne.s32 s19, s10;
	[tilespmem:s20+$0x20] =	vst v2  }
.Ltmp6:
0x7d: {  	[tilespmem:s20+$0x30] =	vst v3;
	(pc) =	sbr.rel @p0 .LBB2_1-.Ltmp6, $4  }
0x7e: {  	[hbm4b:s9+s2] =	stream.linear.scatter [tilespmem:s11], [sflag:$0x3], $0x9C80, $0x38;
	[tilespmem:$0x155A0] =	vst v63  }
0x7f: {  	_ =	swait.ge [sflag:s13], $0x9C80  }
0x80: {  	[sflag:s13] =	ssyncset.done $0x0  }
0x81: {  	[sflag:s13] =	ssyncadd.s32 $0xFFFF6380  }
0x82: {  	_ =	sfence.sel $0x180000  }
0x83: {  	[bflag:$0x0] =	sbarrier.arrive $0xFFFF  }
0x84: {  	p0 =	sne.s32 s3, $0x0;
	_ =	strace $0x90000047  }
0x85: {  	s0 =	sadd.s32 @!p0 $0x100000, s0;
	[bflag:$0x2] =	sbarrier.arrive $0xFFFF  }
0x86: {  	[sflag:s0] =	ssyncadd.tile.s32 @!p0 $0x1;
	_ =	shalt  }
.Lfunc_end2:
_tile_overlayer_lowered:
.L_overlay_start_2:
0x87: {  	(tag) =	ssettag $0x2  }
0x88: {  	s0 =	rddreg [dreg:$0x0];
	s2 =	stileid.u32  }
0x89: {  	s1 =	rddreg [dreg:$0x1];
	p0 =	sne.s32 s2, $0x0  }
0x8a: {  	s3 =	rddreg [dreg:$0x2];
	[bflag:$0x3] =	sbarrier.arrive $0xFFFF;
	s2 =	simm.s32 @!p0 $0x1C03  }
0x8b: {  	[timem:s3], [sflag:s2] =	dma.local @!p0 [hbm:s0], s1  }
0x8c: {  	s0 =	simm.s32 @!p0 $0x3  }
0x8d: {  	_ =	swait.ge @!p0 [sflag:s0], s1  }
0x8e: {  	s1 =	ssub.s32 @!p0 $0x0, s1;
	[sflag:s0] =	ssyncset.done @!p0 $0x0  }
0x8f: {  	[sflag:s0] =	ssyncadd.s32 @!p0 s1  }
0x90: {  	[bflag:$0x3] =	sbarrier.arrive $0xFFFF  }
0x91: {  	_ =	shalt  }

// kernel: kernel.8.cloned.1.call-start
scs
__scs_entry_jumppad:
0x0: {  	(pc) =	sbr.rel $0x88, $3  }
0x1: {  	(tag) =	ssettag $0x0;
	lr =	simm.s32 $0x1  }
0x2: {  	[smem:$0x3F9B] =	sst lr;
	_ =	strace $0xD0000000  }
0x3: {  	_ = 	snop  }
0x4: {  	_ = 	snop  }
0x5: {  	_ = 	snop  }
0x6: {  	_ = 	snop  }
0x7: {  	_ = 	snop  }
__scs_overlays_trampoline_lowered:
0x8: {  	[smem:$0x3FAA] =	sst s0  }
0x9: {  	[smem:$0x3FAB] =	sst s1  }
0xa: {  	[smem:$0x3FAC] =	sst s2  }
0xb: {  	[smem:$0x3FAD] =	sst s3  }
0xc: {  	[smem:$0x3FAE] =	sst s4  }
0xd: {  	[smem:$0x3FAF] =	sst s5  }
0xe: {  	[smem:$0x3FB0] =	sst s6  }
0xf: {  	[smem:$0x3FB1] =	sst s7  }
0x10: {  	[smem:$0x3FB2] =	sst s8  }
0x11: {  	[smem:$0x3FB3] =	sst s9;
	s0 =	simm.s32 @!p0 $0x0  }
0x12: {  	s1 =	sld [smem:$0x3F99];
	s0 =	simm.s32 @p0 $0x1  }
0x13: {  	[smem:$0x3FB4] =	sst s0;
	s0 =	simm.s32 @!p1 $0x0  }
0x14: {  	s2 =	sld [smem:$0x3F98];
	s0 =	simm.s32 @p1 $0x1  }
0x15: {  	[smem:$0x3FB5] =	sst s0;
	s0 =	simm.s32 @!p2 $0x0  }
0x16: {  	s3 =	sld [smem:$0x3FDB];
	s0 =	simm.s32 @p2 $0x1  }
0x17: {  	s4 =	simm.s32 $0x1BF5;
	[smem:$0x3FB7] =	sst s0  }
0x18: {  	s0 =	sld [smem:$0x3F9A];
	_ =	swait.ge [sflag:s4], $0x0  }
0x19: {  	s7 =	sld [smem:$0x3F9B]  }
0x1a: {  	s8 =	sadd.s32 $0xFFFFE003, lr  }
0x1b: {  	s9 =	sadd.s32 $0xFFFFFEF7, lr;
	s5 =	simm.s32 $0xFFFFFFFF;
	p2 =	slt.u32 s8, $0xFFFFF086  }
0x1c: {  	p1 =	slt.u32 s9, $0xF7A;
	s5 =	simm.s32 @!p2 $0x0  }
0x1d: {  	s5 =	simm.s32 @p1 $0x1;
	p0 =	seq.s32 s7, s2  }
0x1e: {  	s7 =	smul.u32 @!p0 $0xF7A, s2;
	p2 =	seq.s32 @!p0 s5, $0x0  }
0x1f: {  	s9 =	smul.u32 $0xF7A, s1;
	s8 =	simm.s32 @!p0 $0x1BF5;
	p2 =	por !p2, p0  }
0x20: {  	[sflag:s8] =	ssyncset.s32 @!p0 $0xFFFFF086;
	s6 =	sadd.s32 @!p0 s3, s7;
	s7 =	simm.s32 @!p0 $0x108  }
0x21: {  	s3 =	sadd.s32 s3, s9;
	s6 =	sadd.s32 @!p0 $0x88, s6;
	s7 =	simm.s32 @p2 $0x1082  }
0x22: {  	[simem:s7], [sflag:s8] =	dma.local @!p0 [hbm:s6], $0xF7A  }
0x23: {  	s9 =	sor.u32 $0xD0000000, s2;
	s6 =	simm.s32 $0x108;
	_ =	swait.ge @!p0 [sflag:s8], $0x0  }
0x24: {  	s3 =	sadd.s32 $0x88, s3;
	s6 =	simm.s32 @!p1 $0x1082;
	[sflag:s4] =	ssyncset.s32 $0xFFFFF086  }
0x25: {  	[simem:s6], [sflag:s4] =	dma.local [hbm:s3], $0xF7A  }
0x26: {  	[smem:$0x3F9B] =	sst s1;
	(tag) =	ssettag s2;
	_ =	strace s9  }
0x27: {  	s1 =	sld [smem:$0x3FAB]  }
0x28: {  	s2 =	sld [smem:$0x3FAC]  }
0x29: {  	s4 =	sld [smem:$0x3FAE]  }
0x2a: {  	p0 =	seq.s32 s5, $0x0;
	s5 =	sld [smem:$0x3FAF]  }
0x2b: {  	s6 =	sld [smem:$0x3FB0]  }
0x2c: {  	s7 =	sld [smem:$0x3FB1]  }
0x2d: {  	s3 =	simm.s32 $0x108;
	s8 =	sld [smem:$0x3FB2]  }
0x2e: {  	s3 =	simm.s32 @!p0 $0x1082;
	s9 =	sld [smem:$0x3FB3]  }
0x2f: {  	lr =	sadd.s32 s0, s3;
	s0 =	sld [smem:$0x3FAA]  }
0x30: {  	s3 =	sld [smem:$0x3FAD]  }
0x31: {  	[smem:$0x3FB6] =	sst s10  }
0x32: {  	s10 =	sld [smem:$0x3FB4];
	_ =	sdelay $0x3  }
0x33: {  	p0 =	seq.s32 s10, $0x1;
	s10 =	sld [smem:$0x3FB6];
	_ =	sdelay $0x3  }
0x34: {  	[smem:$0x3FB6] =	sst s10  }
0x35: {  	s10 =	sld [smem:$0x3FB5];
	_ =	sdelay $0x3  }
0x36: {  	p1 =	seq.s32 s10, $0x1;
	s10 =	sld [smem:$0x3FB6];
	_ =	sdelay $0x3  }
0x37: {  	[smem:$0x3FB6] =	sst s10  }
0x38: {  	s10 =	sld [smem:$0x3FB7]  }
0x39: {  	_ = 	snop;
	(pc) =	sbr.ind lr, $3  }
0x3a: {  	_ = 	snop  }
0x3b: {  	_ = 	snop  }
0x3c: {  	p2 =	seq.s32 s10, $0x1;
	s10 =	sld [smem:$0x3FB6]  }
0x3d: {  	_ =	shalt  }
0x3e: {  	_ =	shalt  }
0x3f: {  	_ =	shalt  }
0x40: {  	_ =	shalt  }
0x41: {  	_ =	shalt  }
0x42: {  	_ =	shalt  }
0x43: {  	_ =	shalt  }
0x44: {  	_ =	shalt  }
0x45: {  	_ =	shalt  }
0x46: {  	_ =	shalt  }
0x47: {  	_ =	shalt  }
0x48: {  	_ =	shalt  }
0x49: {  	_ =	shalt  }
0x4a: {  	_ =	shalt  }
0x4b: {  	_ =	shalt  }
0x4c: {  	_ =	shalt  }
0x4d: {  	_ =	shalt  }
0x4e: {  	_ =	shalt  }
0x4f: {  	_ =	shalt  }
0x50: {  	_ =	shalt  }
0x51: {  	_ =	shalt  }
0x52: {  	_ =	shalt  }
0x53: {  	_ =	shalt  }
0x54: {  	_ =	shalt  }
0x55: {  	_ =	shalt  }
0x56: {  	_ =	shalt  }
0x57: {  	_ =	shalt  }
0x58: {  	_ =	shalt  }
0x59: {  	_ =	shalt  }
0x5a: {  	_ =	shalt  }
0x5b: {  	_ =	shalt  }
0x5c: {  	_ =	shalt  }
0x5d: {  	_ =	shalt  }
0x5e: {  	_ =	shalt  }
0x5f: {  	_ =	shalt  }
0x60: {  	_ =	shalt  }
0x61: {  	_ =	shalt  }
0x62: {  	_ =	shalt  }
0x63: {  	_ =	shalt  }
0x64: {  	_ =	shalt  }
0x65: {  	_ =	shalt  }
0x66: {  	_ =	shalt  }
0x67: {  	_ =	shalt  }
0x68: {  	_ =	shalt  }
0x69: {  	_ =	shalt  }
0x6a: {  	_ =	shalt  }
0x6b: {  	_ =	shalt  }
0x6c: {  	_ =	shalt  }
0x6d: {  	_ =	shalt  }
0x6e: {  	_ =	shalt  }
0x6f: {  	_ =	shalt  }
0x70: {  	_ =	shalt  }
0x71: {  	_ =	shalt  }
0x72: {  	_ =	shalt  }
0x73: {  	_ =	shalt  }
0x74: {  	_ =	shalt  }
0x75: {  	_ =	shalt  }
0x76: {  	_ =	shalt  }
0x77: {  	_ =	shalt  }
0x78: {  	_ =	shalt  }
0x79: {  	_ =	shalt  }
0x7a: {  	_ =	shalt  }
0x7b: {  	_ =	shalt  }
0x7c: {  	_ =	shalt  }
0x7d: {  	_ =	shalt  }
0x7e: {  	_ =	shalt  }
0x7f: {  	_ =	shalt  }
0x80: {  	_ =	shalt  }
0x81: {  	_ =	shalt  }
0x82: {  	_ =	shalt  }
0x83: {  	_ =	shalt  }
0x84: {  	_ =	shalt  }
0x85: {  	_ =	shalt  }
0x86: {  	_ =	shalt  }
0x87: {  	_ =	shalt  }
.Lfunc_end0:
.L_simem_size_0:
called_computation.1_lowered:
.L_overlay_start_0:
0x88: {  	s2 =	sld [smem:$0x3FD9]  }
0x89: {  	s3 =	sld [smem:$0x3FFE];
	_ =	sdelay $0x1  }
0x8a: {  	s1 =	srdreg.scid  }
0x8b: {  	s0 =	sand.u32 $0x1, s1  }
0x8c: {  	s17 =	sshll.u32 s0, $0xA;
	s2 =	sadd.s32 s3, s2  }
0x8d: {  	s2 =	sadd.s32 s2, s17  }
0x8e: {  	[smem:$0x3FC2] =	sst s2  }
0x8f: {  	_ = 	snop  }
0x90: {  	s2 =	sld [smem:$0x3FD0];
	(tm) =	ssettm $0x1  }
0x91: {  	s18 =	sld [smem:$0x3FFB];
	_ =	sdelay $0x3  }
0x92: {  	_ =	strace s18  }
0x93: {  	s3 =	sld [smem:$0x3FFC];
	_ =	sdelay $0x3  }
0x94: {  	_ =	strace s3  }
0x95: {  	s3 =	sld [smem:$0x3FFD];
	_ =	sdelay $0x3  }
0x96: {  	_ =	strace s3  }
0x97: {  	_ =	strace $0x8FFFFFFF  }
0x98: {  	s19 =	sld [smem:$0x3FDB];
	_ =	sdelay $0x1  }
0x99: {  	s4 =	simm.s32 $_scs_section_size  }
0x9a: {  	s5 =	simm.s32 $_size__tile_overlayer_lowered;
	s6 =	simm.s32 $_tile_overlayer_lowered  }
0x9b: {  	s22 =	simm.s32 $0x1BFF;
	s21 =	sshll.u32 s6, $0x1;
	s3 =	sadd.s32 s4, s19  }
0x9c: {  	s7 =	simm.s32 $0x0;
	s20 =	sshll.u32 s5, $0x1;
	s5 =	sadd.s32 s21, s3  }
0x9d: {  	[timem:s7], [sflag:s22] =	dma.local [hbm:s5], s20  }
0x9e: {  	_ =	swait.ge [sflag:s22], s20  }
0x9f: {  	s4 =	ssub.s32 $0x0, s20;
	[sflag:s22] =	ssyncset.done $0x0  }
0xa0: {  	[sflag:s22] =	ssyncadd.s32 s4;
	_ =	sdelay $0x1  }
0xa1: {  	s23 =	simm.s32 $0x1B8B  }
0xa2: {  	_ =	swait.ge [sflag:s23], $0x1  }
0xa3: {  	[sflag:s23] =	ssyncset.done $0x0  }
0xa4: {  	s25 =	simm.s32 $0x1B8E;
	s24 =	sld [smem:$0x3FFE];
	[sflag:s23] =	ssyncadd.s32 $0xFFFFFFFF  }
0xa5: {  	s26 =	simm.s32 $execute0_lowered;
	[smem:$0x3FD2] =	sst s25  }
0xa6: {  	s5 =	sshll.u32 s26, $0x1;
	_ =	strace $0x80000049;
	[dreg:$0x1] =	wrdreg $0xFFFFFFFF  }
0xa7: {  	s28 =	simm.s32 $_size_execute0_lowered;
	s3 =	sadd.s32 s3, s5;
	[dreg:$0x0] =	wrdreg $0x0  }
0xa8: {  	s5 =	sshll.u32 s28, $0x1;
	[dreg:$0x2] =	wrdreg s3  }
0xa9: {  	[dreg:$0x3] =	wrdreg s5  }
0xaa: {  	[dreg:$0x4] =	wrdreg $0xC0  }
0xab: {  	_ =	task [dreg:s7], $0x5FFFF  }
0xac: {  	[dreg:$0x1] =	wrdreg $0xFFFFFFFF  }
0xad: {  	[dreg:$0x0] =	wrdreg $0x60  }
0xae: {  	[dreg:$0x2] =	wrdreg s24  }
0xaf: {  	[dreg:$0x3] =	wrdreg s2  }
0xb0: {  	[dreg:$0x4] =	wrdreg $0x0  }
0xb1: {  	[dreg:$0x5] =	wrdreg $0x9  }
0xb2: {  	_ =	task.clear_ibuf [dreg:s7], $0x6FFFF;
	_ =	strace $0x90000049  }
0xb3: {  	s29 =	simm.s32 $0x9;
	_ =	strace $0x8000004B  }
0xb4: {  	_ =	swait.ge [sflag:s29], $0x1  }
0xb5: {  	[sflag:s29] =	ssyncadd.s32 $0xFFFFFFFF  }
0xb6: {  	_ =	strace $0x9000004B  }
0xb7: {  	_ =	sfence  }
0xb8: {  	s30 =	sld [smem:$0x0];
	_ =	sdelay $0x2  }
0xb9: {  	s31 =	sshll.u32 s1, $0xD;
	s1 =	sshrl.u32 s1, $0x2  }
0xba: {  	s3 =	sand.u32 $0x4000, s31;
	s1 =	sadd.s32 s1, s30  }
0xbb: {  	s0 =	sor.u32 s3, s0;
	s1 =	sshll.u32 s1, $0x11  }
0xbc: {  	s0 =	sor.u32 s1, s0  }
0xbd: {  	s0 =	sadd.s32 $0x8F2B, s0  }
0xbe: {  	[sflag:s0] =	ssyncadd.remote.s32 $0x1  }
0xbf: {  	_ =	sfence.sel $0xFFFF  }
0xc0: {  	[dreg:$0x0] =	wrdreg $0xFFFFFFFF;
	(pc) =	sbr.abs _section_cstart, $3  }
0xc1: {  	[dreg:$0x1] =	wrdreg $0xFFFFFFFF  }
0xc2: {  	_ =	task.clear_ibuf [dreg:s7], $0x2FFFF;
	_ =	strace $0x9FFFFFFF  }
0xc3: {  	(tm) =	ssettm $0x7FFFFFFF  }
tec
execute0_lowered:
.L_overlay_start_1:
0x0: {  	(tag) =	ssettag $0x1  }
0x1: {  	s0 =	rddreg [dreg:$0x0]  }
0x2: {  	s2 =	rddreg [dreg:$0x1]  }
0x3: {  	s3 =	rddreg [dreg:$0x2]  }
0x4: {  	s1 =	srdreg.scid;
	s9 =	stileid.u32  }
0x5: {  	s4 =	simm.s32 $0x0;
	s14 =	simm.s32 $0x28;
	s15 =	simm.s32 $0x27  }
0x6: {  	s18 =	simm.s32 $0x16080;
	s19 =	simm.s32 $0x3;
	s20 =	simm.s32 $0x13880  }
0x7: {  	s21 =	simm.s32 $0x14C80;
	s22 =	simm.s32 $0x80;
	s23 =	simm.s32 $0x1  }
0x8: {  	s24 =	simm.s32 $0x13900;
	s25 =	simm.s32 $0x2;
	s29 =	simm.s32 $0x0  }
0x9: {  	s1 =	sand.u32 $0x1, s1;
	s5 =	smul.u32 $0x13880, s9;
	[smem:$0x7FF] =	sst s4  }
0xa: {  	s6 =	smul.u32 $0x138800, s1;
	s7 =	sshll.u32 s1, $0x4;
	_ =	strace $0x8000004A  }
0xb: {  	s1 =	ssub.s32 $0x2, s1;
	s7 =	sor.u32 s9, s7;
	s9 =	smul.u32 $0x4E200, s9  }
0xc: {  	s26 =	sshrl.u32 s1, $0x1;
	s6 =	sadd.s32 s5, s6;
	s8 =	smul.u32 $0x4E, s7  }
0xd: {  	s10 =	smax.u32 s7, $0x1C;
	s1 =	ssub.s32 s1, s26;
	p0 =	sgt.u32 s7, $0x1B  }
0xe: {  	s5 =	sadd.s32 s5, s3;
	s6 =	sshrl.u32 s6, $0x3;
	s30 =	sshrl.u32 s9, $0x2  }
0xf: {  	s14 =	simm.s32 @!p0 $0x27;
	s15 =	simm.s32 @!p0 $0x26;
	s17 =	smax.u32 s1, $0x1  }
0x10: {  	s16 =	sadd.s32 s6, s0;
	s28 =	sadd.s32 s8, s10;
	s9 =	sadd.s32 s30, s3  }
0x11: {  	s10 =	sshll.u32 s28, $0x4;
	s31 =	sadd.s32 $0x4000, s9;
	s7 =	sadd.s32 $0x8000, s9  }
0x12: {  	s8 =	sadd.s32 $0xC000, s9;
	s9 =	sadd.s32 $0x10000, s9;
	s0 =	sadd.s32 s0, s10  }
0x13: {  	s16 =	sadd.s32 $0x14E00, s16;
	[dreg:$0x4] =	wrdreg s31;
	s10 =	sadd.s32 $0x1240, s0  }
0x14: {  	v0 =	vimm.f32 $0.0e+00;
	s11 =	sadd.s32 $0xAE80, s0;
	s12 =	sadd.s32 $0x14B0, s0;
	s13 =	sadd.s32 $0xB0F0, s0  }
.LBB2_1:
0x15: {  	s0 =	simm.s32 $0x0;
	s1 =	simm.s32 $0x200  }
.LBB2_2:
0x16: {  	p0 =	sne.s32 s1, $0xFE00;
	[tilespmem:s0+$0x160F0] =	vst v0  }
0x17: {  	[tilespmem:s0+$0x16080] =	vst v0  }
0x18: {  	[tilespmem:s0+$0x16090] =	vst v0  }
.Ltmp0:
0x19: {  	[tilespmem:s0+$0x160A0] =	vst v0;
	(pc) =	sbr.rel @p0 .LBB2_2-.Ltmp0, $4  }
0x1a: {  	[tilespmem:s0+$0x160B0] =	vst v0  }
0x1b: {  	[tilespmem:s0+$0x160C0] =	vst v0  }
0x1c: {  	[tilespmem:s0+$0x160D0] =	vst v0  }
0x1d: {  	[tilespmem:s0+$0x160E0] =	vst v0;
	s0 =	sshra.s32 s1, $0x2;
	s1 =	sadd.s32 $0x200, s1  }
0x1e: {  	[tilespmem:s0+$0x160F0] =	vst v0  }
0x1f: {  	[tilespmem:s0+$0x16080] =	vst v0  }
0x20: {  	[tilespmem:s0+$0x16090] =	vst v0  }
0x21: {  	[tilespmem:s0+$0x160A0] =	vst v0  }
0x22: {  	[tilespmem:s0+$0x160B0] =	vst v0  }
0x23: {  	[tilespmem:s0+$0x160C0] =	vst v0  }
0x24: {  	[tilespmem:s0+$0x160D0] =	vst v0  }
0x25: {  	[tilespmem:s0+$0x160E0] =	vst v0  }
0x26: {  	[spmem:s5] =	stream.linear.scatter [tilespmem:s18], [sflag:$0x3], $0x4000, $0x38;
	[tilespmem:$0x1E080] =	vst v63  }
0x27: {  	_ =	swait.ge [sflag:s19], $0x4000  }
0x28: {  	[sflag:s19] =	ssyncset.done $0x0  }
0x29: {  	s1 =	rddreg [dreg:$0x4];
	[sflag:s19] =	ssyncadd.s32 $0xFFFFC000  }
0x2a: {  	[spmem:s1] =	stream.linear.scatter [tilespmem:s18], [sflag:$0x3], $0x4000, $0x38;
	[tilespmem:$0x1E080] =	vst v63  }
0x2b: {  	_ =	swait.ge [sflag:s19], $0x4000  }
0x2c: {  	[sflag:s19] =	ssyncset.done $0x0  }
0x2d: {  	[sflag:s19] =	ssyncadd.s32 $0xFFFFC000  }
0x2e: {  	[spmem:s7] =	stream.linear.scatter [tilespmem:s18], [sflag:$0x3], $0x4000, $0x38;
	[tilespmem:$0x1E080] =	vst v63  }
0x2f: {  	_ =	swait.ge [sflag:s19], $0x4000  }
0x30: {  	[sflag:s19] =	ssyncset.done $0x0  }
0x31: {  	[sflag:s19] =	ssyncadd.s32 $0xFFFFC000  }
0x32: {  	[spmem:s8] =	stream.linear.scatter [tilespmem:s18], [sflag:$0x3], $0x4000, $0x38;
	[tilespmem:$0x1E080] =	vst v63  }
0x33: {  	_ =	swait.ge [sflag:s19], $0x4000  }
0x34: {  	[sflag:s19] =	ssyncset.done $0x0  }
0x35: {  	[sflag:s19] =	ssyncadd.s32 $0xFFFFC000  }
0x36: {  	[spmem:s9] =	stream.linear.scatter [tilespmem:s18], [sflag:$0x3], $0x3880, $0x38;
	[tilespmem:$0x1E080] =	vst v63  }
0x37: {  	_ =	swait.ge [sflag:s19], $0x3880  }
0x38: {  	[sflag:s19] =	ssyncset.done $0x0  }
0x39: {  	[sflag:s19] =	ssyncadd.s32 $0xFFFFC780  }
0x3a: {  	[bflag:$0x0] =	sbarrier.arrive $0xFFFF  }
0x3b: {  	[tilespmem:s20], [sflag:$0x3] =	stream.linear.gather [hbm4b:s10+s4], $0x1380, $0x38;
	[tilespmem:$0x1E080] =	vst v63  }
0x3c: {  	_ =	swait.ge [sflag:s19], $0x1380  }
0x3d: {  	[sflag:s19] =	ssyncset.done $0x0  }
0x3e: {  	[sflag:s19] =	ssyncadd.s32 $0xFFFFEC80  }
0x3f: {  	[tilespmem:s21], [sflag:$0x3] =	stream.linear.gather [hbm4b:s11+s4], $0x1380, $0x38;
	[tilespmem:$0x1E080] =	vst v63  }
0x40: {  	_ =	swait.ge [sflag:s19], $0x1380  }
0x41: {  	[sflag:s19] =	ssyncset.done $0x0  }
0x42: {  	[sflag:s19] =	ssyncadd.s32 $0xFFFFEC80  }
0x43: {  	[tilespmem:s18], [sflag:$0x1] =	stream.indirect.gather [hbm4b:s2+s22], $0x80, s20, s22, $0xb8;
	[tilespmem:$0x1E080] =	vst v63  }
0x44: {  	_ =	swait.ge [sflag:s23], $0x4000  }
0x45: {  	[sflag:s23] =	ssyncset.done $0x0  }
0x46: {  	s6 =	simm.s32 $0x1A080;
	[sflag:s23] =	ssyncadd.s32 $0xFFFFC000  }
0x47: {  	[tilespmem:s6], [sflag:$0x1] =	stream.indirect.gather [hbm4b:s2+s22], $0x80, s24, s22, $0xb8;
	[tilespmem:$0x1E080] =	vst v63  }
0x48: {  	_ = 	snop  }
0x49: {  	[spmem:s3] =	stream.indirect.scatter.add.f32 [tilespmem:s18], [sflag:$0x2], $0x80, s21, s22, $0xb8;
	[tilespmem:$0x1E080] =	vst v63  }
0x4a: {  	_ =	swait.ge [sflag:s23], $0x4000  }
0x4b: {  	[sflag:s23] =	ssyncset.done $0x0  }
0x4c: {  	[sflag:s23] =	ssyncadd.s32 $0xFFFFC000  }
0x4d: {  	s1 =	simm.s32 $0x8000;
	_ =	swait.ge [sflag:s25], $0x4000  }
0x4e: {  	s1 =	sand.u32 $0x4000, s1;
	[sflag:s25] =	ssyncset.done $0x0  }
0x4f: {  	s26 =	simm.s32 $0x13980;
	s30 =	sadd.s32 $0x16080, s1;
	[sflag:s25] =	ssyncadd.s32 $0xFFFFC000  }
0x50: {  	[tilespmem:s30], [sflag:$0x1] =	stream.indirect.gather [hbm4b:s2+s22], $0x80, s26, s22, $0xb8;
	[tilespmem:$0x1E080] =	vst v63  }
0x51: {  	s26 =	simm.s32 $0x14D00  }
0x52: {  	[spmem:s3] =	stream.indirect.scatter.add.f32 [tilespmem:s6], [sflag:$0x2], $0x80, s26, s22, $0xb8;
	[tilespmem:$0x1E080] =	vst v63  }
0x53: {  	_ =	swait.ge [sflag:s23], $0x4000  }
0x54: {  	[sflag:s23] =	ssyncset.done $0x0  }
0x55: {  	s28 =	simm.s32 $0xC000;
	[sflag:s23] =	ssyncadd.s32 $0xFFFFC000  }
0x56: {  	s31 =	simm.s32 $0x10000;
	s0 =	simm.s32 $0x14D80;
	_ =	swait.ge [sflag:s25], $0x4000  }
0x57: {  	s1 =	simm.s32 $0x13A00;
	s26 =	sand.u32 $0x4000, s28;
	[sflag:s25] =	ssyncset.done $0x0  }
.LBB2_4:
0x58: {  	s26 =	sadd.s32 $0x16080, s26  }
0x59: {  	[sflag:s25] =	ssyncadd.s32 $0xFFFFC000;
	s28 =	smov.u32 s31;
	s6 =	sadd.s32 $0x4000, s31  }
0x5a: {  	[tilespmem:s26], [sflag:$0x1] =	stream.indirect.gather [hbm4b:s2+s22], $0x80, s1, s22, $0xb8;
	[tilespmem:$0x1E080] =	vst v63  }
0x5b: {  	p0 =	sne.s32 s31, $0x98000  }
0x5c: {  	[spmem:s3] =	stream.indirect.scatter.add.f32 [tilespmem:s30], [sflag:$0x2], $0x80, s0, s22, $0xb8;
	[tilespmem:$0x1E080] =	vst v63  }
.Ltmp1:
0x5d: {  	s30 =	smov.u32 s26;
	_ =	swait.ge [sflag:s23], $0x4000;
	(pc) =	sbr.rel @p0 .LBB2_4-.Ltmp1, $4  }
0x5e: {  	[sflag:s23] =	ssyncset.done $0x0  }
0x5f: {  	[sflag:s23] =	ssyncadd.s32 $0xFFFFC000  }
0x60: {  	s1 =	sadd.s32 $0x80, s1;
	s0 =	sadd.s32 $0x80, s0;
	_ =	swait.ge [sflag:s25], $0x4000  }
0x61: {  	s31 =	smov.u32 s6;
	s26 =	sand.u32 $0x4000, s28;
	[sflag:s25] =	ssyncset.done $0x0  }
0x62: {  	s6 =	sadd.s32 $0x16080, s26;
	[sflag:s25] =	ssyncadd.s32 $0xFFFFC000  }
0x63: {  	[tilespmem:s6], [sflag:$0x1] =	stream.indirect.gather [hbm4b:s2+s22], $0x80, s1, s22, $0xb8;
	[tilespmem:$0x1E080] =	vst v63  }
0x64: {  	_ = 	snop  }
0x65: {  	[spmem:s3] =	stream.indirect.scatter.add.f32 [tilespmem:s30], [sflag:$0x2], $0x80, s0, s22, $0xb8;
	[tilespmem:$0x1E080] =	vst v63  }
0x66: {  	_ =	swait.ge [sflag:s23], $0x4000  }
0x67: {  	[sflag:s23] =	ssyncset.done $0x0  }
0x68: {  	[sflag:s23] =	ssyncadd.s32 $0xFFFFC000  }
0x69: {  	_ =	swait.ge [sflag:s25], $0x4000  }
0x6a: {  	[sflag:s25] =	ssyncset.done $0x0  }
0x6b: {  	s28 =	simm.s32 $0x15F80;
	[sflag:s25] =	ssyncadd.s32 $0xFFFFC000  }
0x6c: {  	[spmem:s3] =	stream.indirect.scatter.add.f32 [tilespmem:s6], [sflag:$0x2], $0x80, s28, s22, $0xb8;
	[tilespmem:$0x1E080] =	vst v63  }
0x6d: {  	_ =	swait.ge [sflag:s25], $0x4000  }
0x6e: {  	[sflag:s25] =	ssyncset.done $0x0  }
0x6f: {  	[sflag:s25] =	ssyncadd.s32 $0xFFFFC000  }
0x70: {  	[tilespmem:s20], [sflag:$0x3] =	stream.linear.gather [hbm4b:s12+s4], $0x1400, $0x38;
	[tilespmem:$0x1E080] =	vst v63  }
0x71: {  	_ =	swait.ge [sflag:s19], $0x1400  }
0x72: {  	[sflag:s19] =	ssyncset.done $0x0  }
0x73: {  	[sflag:s19] =	ssyncadd.s32 $0xFFFFEC00  }
0x74: {  	[tilespmem:s21], [sflag:$0x3] =	stream.linear.gather [hbm4b:s13+s4], $0x1400, $0x38;
	[tilespmem:$0x1E080] =	vst v63  }
0x75: {  	_ =	swait.ge [sflag:s19], $0x1400  }
0x76: {  	[sflag:s19] =	ssyncset.done $0x0  }
0x77: {  	s1 =	simm.s32 $0x1;
	[sflag:s19] =	ssyncadd.s32 $0xFFFFEC00  }
0x78: {  	[tilespmem:s18], [sflag:$0x1] =	stream.indirect.gather [hbm4b:s2+s22], $0x80, s20, s22, $0xb8;
	[tilespmem:$0x1E080] =	vst v63  }
0x79: {  	_ =	swait.ge [sflag:s1], $0x4000  }
0x7a: {  	[sflag:s1] =	ssyncset.done $0x0  }
0x7b: {  	s6 =	simm.s32 $0x1A080;
	[sflag:s1] =	ssyncadd.s32 $0xFFFFC000  }
0x7c: {  	[tilespmem:s6], [sflag:$0x1] =	stream.indirect.gather [hbm4b:s2+s22], $0x80, s24, s22, $0xb8;
	[tilespmem:$0x1E080] =	vst v63  }
0x7d: {  	_ = 	snop  }
0x7e: {  	[spmem:s3] =	stream.indirect.scatter.add.f32 [tilespmem:s18], [sflag:$0x2], $0x80, s21, s22, $0xb8;
	[tilespmem:$0x1E080] =	vst v63  }
0x7f: {  	_ =	swait.ge [sflag:s23], $0x4000  }
0x80: {  	[sflag:s23] =	ssyncset.done $0x0  }
0x81: {  	[sflag:s23] =	ssyncadd.s32 $0xFFFFC000  }
0x82: {  	p0 =	sle.u32 s15, $0x1;
	s0 =	simm.s32 $0x8000;
	_ =	swait.ge [sflag:s25], $0x4000  }
0x83: {  	s30 =	simm.s32 $0x13980;
	s0 =	sand.u32 @!p0 $0x4000, s0;
	[sflag:s25] =	ssyncset.done $0x0  }
0x84: {  	s0 =	sadd.s32 @!p0 $0x16080, s0;
	s6 =	simm.s32 @!p0 $0x80;
	[sflag:s25] =	ssyncadd.s32 $0xFFFFC000  }
0x85: {  	[tilespmem:s0], [sflag:$0x1] =	stream.indirect.gather @!p0 [hbm4b:s2+s6], $0x80, s30, s6, $0xb8;
	[tilespmem:$0x1E080] =	vst v63  }
0x86: {  	p0 =	sne.s32 s14, $0x2  }
.Ltmp2:
0x87: {  	s26 =	simm.s32 $0x4000;
	(pc) =	sbr.rel @!p0 .LBB2_7-.Ltmp2, $4  }
0x88: {  	s1 =	sand.u32 $0x4000, s26  }
0x89: {  	s28 =	simm.s32 $0x14D00;
	s1 =	sadd.s32 $0x16080, s1  }
0x8a: {  	[spmem:s3] =	stream.indirect.scatter.add.f32 [tilespmem:s1], [sflag:$0x2], $0x80, s28, s22, $0xb8;
	[tilespmem:$0x1E080] =	vst v63  }
0x8b: {  	s31 =	simm.s32 $0x2;
	s0 =	simm.s32 $0xC000;
	s1 =	simm.s32 $0x14D80  }
.LBB2_6:
0x8c: {  	_ =	swait.ge [sflag:s23], $0x4000  }
0x8d: {  	s30 =	sadd.s32 $0x80, s30;
	s6 =	smov.u32 s31;
	s31 =	sadd.s32 $0x1, s31  }
0x8e: {  	[sflag:s23] =	ssyncset.done $0x0;
	p0 =	sne.s32 s14, s31  }
0x8f: {  	s26 =	sadd.s32 $0xFFFFC000, s0;
	[sflag:s23] =	ssyncadd.s32 $0xFFFFC000  }
0x90: {  	p1 =	sge.u32 s6, s15;
	s26 =	sand.u32 $0x4000, s26;
	_ =	swait.ge [sflag:s25], $0x4000  }
0x91: {  	s6 =	sand.u32 @!p1 $0x4000, s0;
	s28 =	simm.s32 @!p1 $0x80;
	[sflag:s25] =	ssyncset.done $0x0  }
.Ltmp3:
0x92: {  	s6 =	sadd.s32 @!p1 $0x16080, s6;
	[sflag:s25] =	ssyncadd.s32 $0xFFFFC000;
	(pc) =	sbr.rel @p0 .LBB2_6-.Ltmp3, $4  }
0x93: {  	[tilespmem:s6], [sflag:$0x1] =	stream.indirect.gather @!p1 [hbm4b:s2+s28], $0x80, s30, s28, $0xb8;
	[tilespmem:$0x1E080] =	vst v63  }
0x94: {  	s6 =	sadd.s32 $0x16080, s26  }
0x95: {  	[spmem:s3] =	stream.indirect.scatter.add.f32 [tilespmem:s6], [sflag:$0x2], $0x80, s1, s22, $0xb8;
	[tilespmem:$0x1E080] =	vst v63  }
0x96: {  	s0 =	sadd.s32 $0x4000, s0;
	s1 =	sadd.s32 $0x80, s1  }
.LBB2_7:
0x97: {  	_ =	swait.ge [sflag:s25], $0x4000;
	s0 =	stileid.u32  }
0x98: {  	s1 =	sshrl.u32 s5, $0x3;
	s29 =	sadd.s32 $0x1, s29;
	[sflag:s25] =	ssyncset.done $0x0  }
0x99: {  	s0 =	sshll.u32 s0, $0x6;
	p0 =	sne.s32 s29, s17;
	[sflag:s25] =	ssyncadd.s32 $0xFFFFC000  }
.Ltmp4:
0x9a: {  	s0 =	sor.u32 $0x1C03, s0;
	[bflag:$0x0] =	sbarrier.arrive $0xFFFF;
	(pc) =	sbr.rel @p0 .LBB2_1-.Ltmp4, $4  }
0x9b: {  	[hbm:s16], [sflag:s0] =	dma.local [spmem:s1], $0x2710  }
0x9c: {  	_ =	swait.ge [sflag:s19], $0x2710  }
0x9d: {  	[sflag:s19] =	ssyncset.done $0x0  }
0x9e: {  	[sflag:s19] =	ssyncadd.s32 $0xFFFFD8F0  }
0x9f: {  	_ =	sfence.sel $0x180000  }
0xa0: {  	[bflag:$0x0] =	sbarrier.arrive $0xFFFF  }
0xa1: {  	_ =	strace $0x9000004A  }
0xa2: {  	s0 =	stileid.u32;
	[bflag:$0x2] =	sbarrier.arrive $0xFFFF  }
0xa3: {  	p0 =	sne.s32 s0, $0x0;
	s0 =	rddreg [dreg:$0x3]  }
0xa4: {  	s0 =	sadd.s32 @!p0 $0x100000, s0  }
0xa5: {  	[sflag:s0] =	ssyncadd.tile.s32 @!p0 $0x1;
	_ =	shalt  }
.Lfunc_end2:
_tile_overlayer_lowered:
.L_overlay_start_2:
0xa6: {  	(tag) =	ssettag $0x2  }
0xa7: {  	s0 =	rddreg [dreg:$0x0];
	s2 =	stileid.u32  }
0xa8: {  	s1 =	rddreg [dreg:$0x1];
	p0 =	sne.s32 s2, $0x0  }
0xa9: {  	s3 =	rddreg [dreg:$0x2];
	[bflag:$0x3] =	sbarrier.arrive $0xFFFF;
	s2 =	simm.s32 @!p0 $0x1C03  }
0xaa: {  	[timem:s3], [sflag:s2] =	dma.local @!p0 [hbm:s0], s1  }
0xab: {  	s0 =	simm.s32 @!p0 $0x3  }
0xac: {  	_ =	swait.ge @!p0 [sflag:s0], s1  }
0xad: {  	s1 =	ssub.s32 @!p0 $0x0, s1;
	[sflag:s0] =	ssyncset.done @!p0 $0x0  }
0xae: {  	[sflag:s0] =	ssyncadd.s32 @!p0 s1  }
0xaf: {  	[bflag:$0x3] =	sbarrier.arrive $0xFFFF  }
0xb0: {  	_ =	shalt  }

</sc_bundles>
